<compile_context>
chip_gen: v7x
topology: tpu7x:2x2x1
jax: 0.10.2.dev20260603
libtpu: 0.0.44.dev20260713+nightly
codegen_flags: <defaults>
</compile_context>

<pallas_src>
import functools

import jax
import jax.numpy as jnp
from jax import lax
from jax.experimental import pallas as pl
from jax.experimental.pallas import tpu as pltpu
from jax.experimental.pallas import tpu_sc as plsc

B, T, D = 4096, 50, 64
TP = 64
BB = 256
M = BB * TP
NPH = 1
BP = B // NPH

_NC, _NS = 2, 16
_NW = _NC * _NS
_BEH_W = BP * TP // _NW
_CHUNK = 512
_NCHUNK = _BEH_W // _CHUNK
_CANDW = BP // _NW


def _sc_gather(table, idx_beh, idx_cand, cat_table, cat_idx):
    mesh = plsc.VectorSubcoreMesh(core_axis_name="c", subcore_axis_name="s")

    @functools.partial(
        pl.kernel,
        out_type=(
            jax.ShapeDtypeStruct((BP * TP, D), jnp.float32),
            jax.ShapeDtypeStruct((BP, D), jnp.float32),
            jax.ShapeDtypeStruct((BP, D // 2), jnp.float32),
        ),
        mesh=mesh,
        scratch_types=[
            pltpu.VMEM((_BEH_W,), jnp.int32),
            pltpu.VMEM((_CHUNK, D), jnp.float32),
            pltpu.VMEM((_CHUNK, D), jnp.float32),
            pltpu.VMEM((_CANDW,), jnp.int32),
            pltpu.VMEM((_CANDW, D), jnp.float32),
            pltpu.VMEM((_CANDW,), jnp.int32),
            pltpu.VMEM((_CANDW, D // 2), jnp.float32),
            pltpu.SemaphoreType.DMA,
            pltpu.SemaphoreType.DMA,
        ],
        compiler_params=pltpu.CompilerParams(use_tc_tiling_on_sc=False),
    )
    def k(table_hbm, ibeh_hbm, icand_hbm, ctab_hbm, cidx_hbm,
          beh_hbm, cand_hbm, cat_hbm,
          idx_v, rows_a, rows_b, kidx_v, krows_v, cidx_v, crows_v,
          sem_a, sem_b):
        wid = lax.axis_index("s") * _NC + lax.axis_index("c")
        base = wid * _BEH_W
        pltpu.sync_copy(ibeh_hbm.at[pl.ds(base, _BEH_W)], idx_v)
        bufs = (rows_a, rows_b)
        sems = (sem_a, sem_b)
        copies = [None, None]
        copies[0] = pltpu.async_copy(
            table_hbm.at[idx_v.at[pl.ds(0, _CHUNK)]], rows_a, sem_a)
        for i in range(_NCHUNK):
            if i + 1 < _NCHUNK:
                copies[(i + 1) % 2] = pltpu.async_copy(
                    table_hbm.at[idx_v.at[pl.ds((i + 1) * _CHUNK, _CHUNK)]],
                    bufs[(i + 1) % 2], sems[(i + 1) % 2])
            copies[i % 2].wait()
            pltpu.sync_copy(bufs[i % 2],
                            beh_hbm.at[pl.ds(base + i * _CHUNK, _CHUNK)])
        kbase = wid * _CANDW
        pltpu.sync_copy(icand_hbm.at[pl.ds(kbase, _CANDW)], kidx_v)
        pltpu.async_copy(table_hbm.at[kidx_v], krows_v, sem_a).wait()
        pltpu.sync_copy(krows_v, cand_hbm.at[pl.ds(kbase, _CANDW)])
        pltpu.sync_copy(cidx_hbm.at[pl.ds(kbase, _CANDW)], cidx_v)
        pltpu.async_copy(ctab_hbm.at[cidx_v], crows_v, sem_b).wait()
        pltpu.sync_copy(crows_v, cat_hbm.at[pl.ds(kbase, _CANDW)])

    return k(table, idx_beh, idx_cand, cat_table, cat_idx)


def _tc_body(be_ref, cand_ref, cat_ref, dense_ref,
             ad_ref, b0_ref, cm_ref, w1t_ref, b1_ref, w2r_ref,
             dw_ref, db_ref,
             m0_ref, mb0_ref, g0_ref, lb0_ref,
             m1_ref, mb1_ref, g1_ref, lb1_ref,
             m2_ref, mb2_ref, g2_ref, lb2_ref,
             hw_ref, hb_ref, sc_ref, out_ref):
    a0 = sc_ref[0, 0]
    a1 = sc_ref[0, 1]
    am = (sc_ref[0, 2], sc_ref[0, 3], sc_ref[0, 4])
    b2 = sc_ref[0, 5]

    be2 = be_ref[...]
    be3 = be2.reshape(BB, TP, D)
    cand = cand_ref[...]
    cand2 = jnp.broadcast_to(cand[:, None, :], (BB, TP, D)).reshape(M, D)
    prod = be2 * cand2

    candC = jnp.dot(cand, cm_ref[...], preferred_element_type=jnp.float32)
    candC2 = jnp.broadcast_to(candC[:, None, :], (BB, TP, 64)).reshape(M, 64)

    x = jnp.concatenate([be2, prod], axis=1)
    h0 = (jnp.dot(x, ad_ref[...], preferred_element_type=jnp.float32)
          + candC2 + b0_ref[...])
    h0 = jnp.where(h0 >= 0, h0, a0 * h0)
    h1 = jnp.dot(h0, w1t_ref[...], preferred_element_type=jnp.float32) + b1_ref[...]
    h1 = jnp.where(h1 >= 0, h1, a1 * h1)
    s = jnp.dot(h1, w2r_ref[...],
                preferred_element_type=jnp.float32) + b2

    absum = jnp.sum(jnp.abs(be2), axis=1, keepdims=True)
    m = jnp.where(absum > 0, jnp.float32(1.0), jnp.float32(0.0))
    sm = s.reshape(BB, TP, 1)
    tmask = jnp.where(
        jax.lax.broadcasted_iota(jnp.int32, (BB, TP, 1), 1) < T,
        jnp.float32(1.0), jnp.float32(0.0))
    m3 = m.reshape(BB, TP, 1) * tmask
    mx = jnp.max(sm, axis=1, keepdims=True)
    e = jnp.exp(sm - mx) * m3
    den = jnp.sum(e, axis=1, keepdims=True)
    w3 = e / den
    ui = jnp.sum(w3 * be3, axis=1)

    dense_out = jnp.dot(dense_ref[...], dw_ref[...],
                        preferred_element_type=jnp.float32) + db_ref[...]
    x2 = jnp.concatenate([ui, cand, cat_ref[...], dense_out], axis=1)

    mlps = ((m0_ref, mb0_ref, g0_ref, lb0_ref),
            (m1_ref, mb1_ref, g1_ref, lb1_ref),
            (m2_ref, mb2_ref, g2_ref, lb2_ref))
    for li, (mw, mb, g, lb) in enumerate(mlps):
        x2 = jnp.dot(x2, mw[...], preferred_element_type=jnp.float32) + mb[...]
        mu = jnp.mean(x2, axis=1, keepdims=True)
        var = jnp.mean((x2 - mu) * (x2 - mu), axis=1, keepdims=True)
        x2 = (x2 - mu) * lax.rsqrt(var + 1e-5) * g[...] + lb[...]
        x2 = jnp.where(x2 >= 0, x2, am[li] * x2)

    z = jnp.dot(x2, hw_ref[...], preferred_element_type=jnp.float32) + hb_ref[...]
    out_ref[...] = 1.0 / (1.0 + jnp.exp(-z))


def _bcast(i):
    return 0, 0


_TC_IN_SPECS = [
    pl.BlockSpec((M, D), lambda i: (i, 0)),
    pl.BlockSpec((BB, D), lambda i: (i, 0)),
    pl.BlockSpec((BB, D // 2), lambda i: (i, 0)),
    pl.BlockSpec((BB, 8), lambda i: (i, 0)),
    pl.BlockSpec((2 * D, 64), _bcast),
    pl.BlockSpec((1, 64), _bcast),
    pl.BlockSpec((D, D), _bcast),
    pl.BlockSpec((64, 32), _bcast),
    pl.BlockSpec((1, 32), _bcast),
    pl.BlockSpec((32, 1), _bcast),
    pl.BlockSpec((8, 32), _bcast),
    pl.BlockSpec((1, 32), _bcast),
    pl.BlockSpec((192, 256), _bcast),
    pl.BlockSpec((1, 256), _bcast),
    pl.BlockSpec((1, 256), _bcast),
    pl.BlockSpec((1, 256), _bcast),
    pl.BlockSpec((256, 128), _bcast),
    pl.BlockSpec((1, 128), _bcast),
    pl.BlockSpec((1, 128), _bcast),
    pl.BlockSpec((1, 128), _bcast),
    pl.BlockSpec((128, 64), _bcast),
    pl.BlockSpec((1, 64), _bcast),
    pl.BlockSpec((1, 64), _bcast),
    pl.BlockSpec((1, 64), _bcast),
    pl.BlockSpec((64, 8), _bcast),
    pl.BlockSpec((1, 8), _bcast),
    pl.BlockSpec((1, 8), _bcast),
]

_TC_OUT_SPEC = pl.BlockSpec((BB, 8), lambda i: (i, 0))


def _tc_forward(ops, interpret=False):
    return pl.pallas_call(
        _tc_body,
        grid=(BP // BB,),
        in_specs=_TC_IN_SPECS,
        out_specs=_TC_OUT_SPEC,
        out_shape=jax.ShapeDtypeStruct((BP, 8), jnp.float32),
        compiler_params=pltpu.CompilerParams(
            dimension_semantics=("parallel",)),
        interpret=interpret,
    )(*ops)


def _prep_weights(p):
    w0t = p['att_w0'].T
    A = w0t[0:D] + w0t[2 * D:3 * D]
    Cm = w0t[D:2 * D] - w0t[2 * D:3 * D]
    Dm = w0t[3 * D:4 * D]
    AD = jnp.concatenate([A, Dm], axis=0)
    dwp = jnp.pad(p['dense_w'].T, ((0, 3), (0, 0)))
    hw = jnp.pad(
        jnp.stack([p[f'head{t}_w'][0] for t in range(3)], axis=1),
        ((0, 0), (0, 5)))
    hb = jnp.pad(
        jnp.stack([p[f'head{t}_b'][0] for t in range(3)])[None, :],
        ((0, 0), (0, 5)))
    scal = jnp.stack([
        p['att_a0'], p['att_a1'], p['mlp0_a'], p['mlp1_a'], p['mlp2_a'],
        p['att_b2'][0], jnp.float32(0), jnp.float32(0)])[None, :]
    return (
        AD, p['att_b0'][None, :], Cm,
        p['att_w1'].T, p['att_b1'][None, :], p['att_w2'].T,
        dwp, p['dense_b'][None, :],
        p['mlp0_w'].T, p['mlp0_b'][None, :], p['mlp0_lng'][None, :], p['mlp0_lnb'][None, :],
        p['mlp1_w'].T, p['mlp1_b'][None, :], p['mlp1_lng'][None, :], p['mlp1_lnb'][None, :],
        p['mlp2_w'].T, p['mlp2_b'][None, :], p['mlp2_lng'][None, :], p['mlp2_lnb'][None, :],
        hw, hb, scal,
    )


def kernel(behavior_ids, candidate_id, candidate_cat, dense_features, params):
    p = params
    ids = behavior_ids.astype(jnp.int32)
    zpos = 100000 + (
        jax.lax.broadcasted_iota(jnp.int32, (B, T), 0) * T
        + jax.lax.broadcasted_iota(jnp.int32, (B, T), 1)) % 2048
    idx_real = jnp.where(ids == 0, zpos, ids)
    fill = (jax.lax.broadcasted_iota(jnp.int32, (B, TP - T), 0) * (TP - T)
            + jax.lax.broadcasted_iota(jnp.int32, (B, TP - T), 1)) % 100000
    idx_beh = jnp.concatenate([idx_real, fill], axis=1)
    tablez = jnp.concatenate(
        [p['item_emb'], jnp.zeros((2048, D), jnp.float32)], axis=0)
    cand_i = candidate_id.astype(jnp.int32)
    cat_i = candidate_cat.astype(jnp.int32)
    weights = _prep_weights(p)

    outs = []
    for ph in range(NPH):
        lo = ph * BP
        be, cand, cat_rows = _sc_gather(
            tablez, idx_beh[lo:lo + BP].reshape(-1),
            cand_i[lo:lo + BP], p['cat_emb'], cat_i[lo:lo + BP])
        ops = (be, cand, cat_rows,
               jnp.pad(dense_features[lo:lo + BP], ((0, 0), (0, 3)))) + weights
        outs.append(_tc_forward(ops))
    return jnp.concatenate(outs, axis=0)[:, :3]

# --- scband reference (transcript-rebuilt; emitter-appended) ---
"""Pipeline reference for scband-dinmodel-57999238365385 (READ-ONLY COPY).

The authoritative reference and input builder live on the scoring server;
editing this copy changes nothing except your own understanding.
"""

import jax, jax.numpy as jnp
import numpy as np

B, T, D = 4096, 50, 64
N_ITEMS, N_CATS = 100000, 1000
MLP_DIMS = (256, 128, 64)
N_TASKS = 3


def _linear(x, W, b):
    return x @ W.T + b


def _prelu(x, a):
    return jnp.where(x >= 0, x, a * x)


def _layernorm(x, g, b, eps=1e-5):
    mu = jnp.mean(x, axis=-1, keepdims=True)
    var = jnp.var(x, axis=-1, keepdims=True)
    return (x - mu) / jnp.sqrt(var + eps) * g + b


def _xavier(key, shape):
    fan_out, fan_in = shape
    lim = float(np.sqrt(6.0 / (fan_in + fan_out)))
    return jax.random.uniform(key, shape, minval=-lim, maxval=lim, dtype=jnp.float32)


def setup_inputs(seed: int = 0) -> dict:
    key = jax.random.key(seed)
    ks = jax.random.split(key, 40)
    behavior_ids = jax.random.randint(ks[0], (B, T), 0, N_ITEMS)
    candidate_id = jax.random.randint(ks[1], (B,), 0, N_ITEMS)
    candidate_cat = jax.random.randint(ks[2], (B,), 0, N_CATS)
    dense_features = jax.random.normal(ks[3], (B, 5), dtype=jnp.float32)
    params = {}
    params['item_emb'] = 0.01 * jax.random.normal(ks[4], (N_ITEMS, D), dtype=jnp.float32)
    params['cat_emb'] = 0.01 * jax.random.normal(ks[5], (N_CATS, D // 2), dtype=jnp.float32)
    # attention MLP: 4D -> 64 -> 32 -> 1 with PReLU
    params['att_w0'] = _xavier(ks[6], (64, 4 * D)); params['att_b0'] = jnp.zeros((64,), jnp.float32)
    params['att_a0'] = jnp.float32(0.25)
    params['att_w1'] = _xavier(ks[7], (32, 64)); params['att_b1'] = jnp.zeros((32,), jnp.float32)
    params['att_a1'] = jnp.float32(0.25)
    params['att_w2'] = _xavier(ks[8], (1, 32)); params['att_b2'] = jnp.zeros((1,), jnp.float32)
    params['dense_w'] = _xavier(ks[9], (32, 5)); params['dense_b'] = jnp.zeros((32,), jnp.float32)
    prev = D + D + D // 2 + 32  # 192
    ki = 10
    for i, h in enumerate(MLP_DIMS):
        params[f'mlp{i}_w'] = _xavier(ks[ki], (h, prev)); ki += 1
        params[f'mlp{i}_b'] = jnp.zeros((h,), jnp.float32)
        params[f'mlp{i}_lng'] = jnp.ones((h,), jnp.float32)
        params[f'mlp{i}_lnb'] = jnp.zeros((h,), jnp.float32)
        params[f'mlp{i}_a'] = jnp.float32(0.25)
        prev = h
    for t in range(N_TASKS):
        params[f'head{t}_w'] = _xavier(ks[ki], (1, prev)); ki += 1
        params[f'head{t}_b'] = jnp.zeros((1,), jnp.float32)
    return {'behavior_ids': behavior_ids, 'candidate_id': candidate_id,
            'candidate_cat': candidate_cat, 'dense_features': dense_features,
            'params': params}


def _forward(behavior_ids, candidate_id, candidate_cat, dense_features, params):
    behavior_emb = jnp.take(params['item_emb'], behavior_ids, axis=0)   # [B,T,D]
    candidate_emb = jnp.take(params['item_emb'], candidate_id, axis=0)  # [B,D]
    category_emb = jnp.take(params['cat_emb'], candidate_cat, axis=0)   # [B,D/2]
    mask = behavior_ids != 0
    # LocalActivationUnit
    cand_exp = jnp.broadcast_to(candidate_emb[:, None, :], behavior_emb.shape)
    diff = behavior_emb - cand_exp
    prod = behavior_emb * cand_exp
    att_input = jnp.concatenate([behavior_emb, cand_exp, diff, prod], axis=-1)  # [B,T,4D]
    h = _prelu(_linear(att_input, params['att_w0'], params['att_b0']), params['att_a0'])
    h = _prelu(_linear(h, params['att_w1'], params['att_b1']), params['att_a1'])
    weights = _linear(h, params['att_w2'], params['att_b2'])[..., 0]  # [B,T]
    weights = jnp.where(mask, weights, -jnp.inf)
    weights = jax.nn.softmax(weights, axis=-1)
    user_interest = jnp.einsum('bt,btd->bd', weights, behavior_emb)  # [B,D]
    dense_out = _linear(dense_features, params['dense_w'], params['dense_b'])
    x = jnp.concatenate([user_interest, candidate_emb, category_emb, dense_out], axis=-1)
    for i in range(len(MLP_DIMS)):
        x = _linear(x, params[f'mlp{i}_w'], params[f'mlp{i}_b'])
        x = _layernorm(x, params[f'mlp{i}_lng'], params[f'mlp{i}_lnb'])
        x = _prelu(x, params[f'mlp{i}_a'])
        # dropout is identity in eval mode
    outs = [jax.nn.sigmoid(_linear(x, params[f'head{t}_w'], params[f'head{t}_b'])) for t in range(N_TASKS)]
    return jnp.concatenate(outs, axis=-1)  # [B, n_tasks]


def reference(behavior_ids, candidate_id, candidate_cat, dense_features, params):
    return _forward(behavior_ids, candidate_id, candidate_cat, dense_features, params)

if __name__ == "__main__":
    import jax
    _d = setup_inputs()
    print(jax.jit(kernel)(*tuple(_d.values())))

</pallas_src>

<mosaic_0001>
#map = affine_map<(d0, d1) -> (0, 0)>
#map1 = affine_map<(d0, d1) -> (0)>
module attributes {stable_mosaic.version = 14 : i64} {
  func.func @k(%arg0: i32, %arg1: i32, %arg2: memref<102048x64xf32, #tpu.memory_space<hbm>>, %arg3: memref<262144xi32, #tpu.memory_space<hbm>>, %arg4: memref<4096xi32, #tpu.memory_space<hbm>>, %arg5: memref<1000x32xf32, #tpu.memory_space<hbm>>, %arg6: memref<4096xi32, #tpu.memory_space<hbm>>, %arg7: memref<262144x64xf32, #tpu.memory_space<hbm>>, %arg8: memref<4096x64xf32, #tpu.memory_space<hbm>>, %arg9: memref<4096x32xf32, #tpu.memory_space<hbm>>, %arg10: memref<8192xi32, #tpu.memory_space<vmem>>, %arg11: memref<512x64xf32, #tpu.memory_space<vmem>>, %arg12: memref<512x64xf32, #tpu.memory_space<vmem>>, %arg13: memref<128xi32, #tpu.memory_space<vmem>>, %arg14: memref<128x64xf32, #tpu.memory_space<vmem>>, %arg15: memref<128xi32, #tpu.memory_space<vmem>>, %arg16: memref<128x32xf32, #tpu.memory_space<vmem>>, %arg17: memref<!tpu.dma_semaphore, #tpu.memory_space<semaphore_mem>>, %arg18: memref<!tpu.dma_semaphore, #tpu.memory_space<semaphore_mem>>) attributes {dimension_semantics = [#tpu.dimension_semantics<core_parallel>, #tpu.dimension_semantics<subcore_parallel>], iteration_bounds = array<i64: 2, 16>, scalar_prefetch = 0 : i64, scratch_operands = 9 : i64, tpu.core_type = #tpu.core_type<sc_vector_subcore>, window_params = [{transform_indices = #map}, {transform_indices = #map1}, {transform_indices = #map1}, {transform_indices = #map}, {transform_indices = #map1}, {transform_indices = #map}, {transform_indices = #map}, {transform_indices = #map}]} {
    %mul3A = arith.constant 2 : i32
    %mul3A_0 = arith.muli %arg1, %mul3A : i32
    %add3A = arith.addi %mul3A_0, %arg0 : i32
    %mul3A_1 = arith.constant 8192 : i32
    %mul3A_2 = arith.muli %add3A, %mul3A_1 : i32
    "tpu.region"() ({
      %run_scoped3A = tpu.sem_alloc : memref<!tpu.dma_semaphore, #tpu.memory_space<semaphore_mem>>
      %dma_start3A_207 = tpu.memref_slice %arg3[%mul3A_2] : memref<262144xi32, #tpu.memory_space<hbm>> -> memref<8192xi32, #tpu.memory_space<hbm>>
      %dma_start3A_208 = tpu.memref_slice %arg3[%mul3A_2] : memref<262144xi32, #tpu.memory_space<hbm>> -> memref<8192xi32, #tpu.memory_space<hbm>>
      tpu.enqueue_dma source(%dma_start3A_208 : memref<8192xi32, #tpu.memory_space<hbm>>) target(%arg10 : memref<8192xi32, #tpu.memory_space<vmem>>) target_semaphore(%run_scoped3A : memref<!tpu.dma_semaphore, #tpu.memory_space<semaphore_mem>>)
      %dma_wait3A_209 = tpu.memref_slice %arg3[%mul3A_2] : memref<262144xi32, #tpu.memory_space<hbm>> -> memref<8192xi32, #tpu.memory_space<hbm>>
      %dma_wait3A_210 = tpu.memref_slice %arg3[%mul3A_2] : memref<262144xi32, #tpu.memory_space<hbm>> -> memref<8192xi32, #tpu.memory_space<hbm>>
      tpu.wait_dma2 semaphore(%run_scoped3A : memref<!tpu.dma_semaphore, #tpu.memory_space<semaphore_mem>>) src(%dma_wait3A_210 : memref<8192xi32, #tpu.memory_space<hbm>>) dst(%arg10 : memref<8192xi32, #tpu.memory_space<vmem>>)
      tpu.yield
    }) : () -> ()
    %dma_start3A = arith.constant 0 : i32
    %dma_start3A_3 = tpu.memref_slice %arg10[%dma_start3A] : memref<8192xi32, #tpu.memory_space<vmem>> -> memref<512xi32, #tpu.memory_space<vmem>>
    %dma_start3A_4 = arith.constant 0 : i32
    %dma_start3A_5 = arith.constant 0 : i32
    %dma_start3A_6 = tpu.memref_slice %arg2[%dma_start3A_4, %dma_start3A_5] : memref<102048x64xf32, #tpu.memory_space<hbm>> -> memref<102048x64xf32, #tpu.memory_space<hbm>>
    tpu.enqueue_indirect_dma source(%dma_start3A_6 : memref<102048x64xf32, #tpu.memory_space<hbm>>) target(%arg11 : memref<512x64xf32, #tpu.memory_space<vmem>>) offsets(%dma_start3A_3 : memref<512xi32, #tpu.memory_space<vmem>>) semaphore(%arg17 : memref<!tpu.dma_semaphore, #tpu.memory_space<semaphore_mem>>)
    %dma_start3A_7 = arith.constant 512 : i32
    %dma_start3A_8 = tpu.memref_slice %arg10[%dma_start3A_7] : memref<8192xi32, #tpu.memory_space<vmem>> -> memref<512xi32, #tpu.memory_space<vmem>>
    %dma_start3A_9 = arith.constant 0 : i32
    %dma_start3A_10 = arith.constant 0 : i32
    %dma_start3A_11 = tpu.memref_slice %arg2[%dma_start3A_9, %dma_start3A_10] : memref<102048x64xf32, #tpu.memory_space<hbm>> -> memref<102048x64xf32, #tpu.memory_space<hbm>>
    tpu.enqueue_indirect_dma source(%dma_start3A_11 : memref<102048x64xf32, #tpu.memory_space<hbm>>) target(%arg12 : memref<512x64xf32, #tpu.memory_space<vmem>>) offsets(%dma_start3A_8 : memref<512xi32, #tpu.memory_space<vmem>>) semaphore(%arg18 : memref<!tpu.dma_semaphore, #tpu.memory_space<semaphore_mem>>)
    %dma_wait3A = arith.constant 0 : i32
    %dma_wait3A_12 = tpu.memref_slice %arg10[%dma_wait3A] : memref<8192xi32, #tpu.memory_space<vmem>> -> memref<512xi32, #tpu.memory_space<vmem>>
    %dma_wait3A_13 = arith.constant 0 : i32
    %dma_wait3A_14 = arith.constant 0 : i32
    %dma_wait3A_15 = tpu.memref_slice %arg2[%dma_wait3A_13, %dma_wait3A_14] : memref<102048x64xf32, #tpu.memory_space<hbm>> -> memref<102048x64xf32, #tpu.memory_space<hbm>>
    tpu.wait_indirect_dma semaphore(%arg17 : memref<!tpu.dma_semaphore, #tpu.memory_space<semaphore_mem>>) src(%dma_wait3A_15 : memref<102048x64xf32, #tpu.memory_space<hbm>>) dst(%arg11 : memref<512x64xf32, #tpu.memory_space<vmem>>)
    %add3A_16 = arith.constant 0 : i32
    %add3A_17 = arith.addi %mul3A_2, %add3A_16 : i32
    "tpu.region"() ({
      %run_scoped3A = tpu.sem_alloc : memref<!tpu.dma_semaphore, #tpu.memory_space<semaphore_mem>>
      %dma_start3A_207 = arith.constant 0 : i32
      %dma_start3A_208 = tpu.memref_slice %arg7[%add3A_17, %dma_start3A_207] : memref<262144x64xf32, #tpu.memory_space<hbm>> -> memref<512x64xf32, #tpu.memory_space<hbm>>
      %dma_start3A_209 = arith.constant 0 : i32
      %dma_start3A_210 = tpu.memref_slice %arg7[%add3A_17, %dma_start3A_209] : memref<262144x64xf32, #tpu.memory_space<hbm>> -> memref<512x64xf32, #tpu.memory_space<hbm>>
      tpu.enqueue_dma source(%arg11 : memref<512x64xf32, #tpu.memory_space<vmem>>) target(%dma_start3A_210 : memref<512x64xf32, #tpu.memory_space<hbm>>) target_semaphore(%run_scoped3A : memref<!tpu.dma_semaphore, #tpu.memory_space<semaphore_mem>>)
      %dma_wait3A_211 = arith.constant 0 : i32
      %dma_wait3A_212 = tpu.memref_slice %arg7[%add3A_17, %dma_wait3A_211] : memref<262144x64xf32, #tpu.memory_space<hbm>> -> memref<512x64xf32, #tpu.memory_space<hbm>>
      %dma_wait3A_213 = arith.constant 0 : i32
      %dma_wait3A_214 = tpu.memref_slice %arg7[%add3A_17, %dma_wait3A_213] : memref<262144x64xf32, #tpu.memory_space<hbm>> -> memref<512x64xf32, #tpu.memory_space<hbm>>
      tpu.wait_dma2 semaphore(%run_scoped3A : memref<!tpu.dma_semaphore, #tpu.memory_space<semaphore_mem>>) src(%arg11 : memref<512x64xf32, #tpu.memory_space<vmem>>) dst(%dma_wait3A_214 : memref<512x64xf32, #tpu.memory_space<hbm>>)
      tpu.yield
    }) : () -> ()
    %dma_start3A_18 = arith.constant 1024 : i32
    %dma_start3A_19 = tpu.memref_slice %arg10[%dma_start3A_18] : memref<8192xi32, #tpu.memory_space<vmem>> -> memref<512xi32, #tpu.memory_space<vmem>>
    %dma_start3A_20 = arith.constant 0 : i32
    %dma_start3A_21 = arith.constant 0 : i32
    %dma_start3A_22 = tpu.memref_slice %arg2[%dma_start3A_20, %dma_start3A_21] : memref<102048x64xf32, #tpu.memory_space<hbm>> -> memref<102048x64xf32, #tpu.memory_space<hbm>>
    tpu.enqueue_indirect_dma source(%dma_start3A_22 : memref<102048x64xf32, #tpu.memory_space<hbm>>) target(%arg11 : memref<512x64xf32, #tpu.memory_space<vmem>>) offsets(%dma_start3A_19 : memref<512xi32, #tpu.memory_space<vmem>>) semaphore(%arg17 : memref<!tpu.dma_semaphore, #tpu.memory_space<semaphore_mem>>)
    %dma_wait3A_23 = arith.constant 512 : i32
    %dma_wait3A_24 = tpu.memref_slice %arg10[%dma_wait3A_23] : memref<8192xi32, #tpu.memory_space<vmem>> -> memref<512xi32, #tpu.memory_space<vmem>>
    %dma_wait3A_25 = arith.constant 0 : i32
    %dma_wait3A_26 = arith.constant 0 : i32
    %dma_wait3A_27 = tpu.memref_slice %arg2[%dma_wait3A_25, %dma_wait3A_26] : memref<102048x64xf32, #tpu.memory_space<hbm>> -> memref<102048x64xf32, #tpu.memory_space<hbm>>
    tpu.wait_indirect_dma semaphore(%arg18 : memref<!tpu.dma_semaphore, #tpu.memory_space<semaphore_mem>>) src(%dma_wait3A_27 : memref<102048x64xf32, #tpu.memory_space<hbm>>) dst(%arg12 : memref<512x64xf32, #tpu.memory_space<vmem>>)
    %add3A_28 = arith.constant 512 : i32
    %add3A_29 = arith.addi %mul3A_2, %add3A_28 : i32
    "tpu.region"() ({
      %run_scoped3A = tpu.sem_alloc : memref<!tpu.dma_semaphore, #tpu.memory_space<semaphore_mem>>
      %dma_start3A_207 = arith.constant 0 : i32
      %dma_start3A_208 = tpu.memref_slice %arg7[%add3A_29, %dma_start3A_207] : memref<262144x64xf32, #tpu.memory_space<hbm>> -> memref<512x64xf32, #tpu.memory_space<hbm>>
      %dma_start3A_209 = arith.constant 0 : i32
      %dma_start3A_210 = tpu.memref_slice %arg7[%add3A_29, %dma_start3A_209] : memref<262144x64xf32, #tpu.memory_space<hbm>> -> memref<512x64xf32, #tpu.memory_space<hbm>>
      tpu.enqueue_dma source(%arg12 : memref<512x64xf32, #tpu.memory_space<vmem>>) target(%dma_start3A_210 : memref<512x64xf32, #tpu.memory_space<hbm>>) target_semaphore(%run_scoped3A : memref<!tpu.dma_semaphore, #tpu.memory_space<semaphore_mem>>)
      %dma_wait3A_211 = arith.constant 0 : i32
      %dma_wait3A_212 = tpu.memref_slice %arg7[%add3A_29, %dma_wait3A_211] : memref<262144x64xf32, #tpu.memory_space<hbm>> -> memref<512x64xf32, #tpu.memory_space<hbm>>
      %dma_wait3A_213 = arith.constant 0 : i32
      %dma_wait3A_214 = tpu.memref_slice %arg7[%add3A_29, %dma_wait3A_213] : memref<262144x64xf32, #tpu.memory_space<hbm>> -> memref<512x64xf32, #tpu.memory_space<hbm>>
      tpu.wait_dma2 semaphore(%run_scoped3A : memref<!tpu.dma_semaphore, #tpu.memory_space<semaphore_mem>>) src(%arg12 : memref<512x64xf32, #tpu.memory_space<vmem>>) dst(%dma_wait3A_214 : memref<512x64xf32, #tpu.memory_space<hbm>>)
      tpu.yield
    }) : () -> ()
    %dma_start3A_30 = arith.constant 1536 : i32
    %dma_start3A_31 = tpu.memref_slice %arg10[%dma_start3A_30] : memref<8192xi32, #tpu.memory_space<vmem>> -> memref<512xi32, #tpu.memory_space<vmem>>
    %dma_start3A_32 = arith.constant 0 : i32
    %dma_start3A_33 = arith.constant 0 : i32
    %dma_start3A_34 = tpu.memref_slice %arg2[%dma_start3A_32, %dma_start3A_33] : memref<102048x64xf32, #tpu.memory_space<hbm>> -> memref<102048x64xf32, #tpu.memory_space<hbm>>
    tpu.enqueue_indirect_dma source(%dma_start3A_34 : memref<102048x64xf32, #tpu.memory_space<hbm>>) target(%arg12 : memref<512x64xf32, #tpu.memory_space<vmem>>) offsets(%dma_start3A_31 : memref<512xi32, #tpu.memory_space<vmem>>) semaphore(%arg18 : memref<!tpu.dma_semaphore, #tpu.memory_space<semaphore_mem>>)
    %dma_wait3A_35 = arith.constant 1024 : i32
    %dma_wait3A_36 = tpu.memref_slice %arg10[%dma_wait3A_35] : memref<8192xi32, #tpu.memory_space<vmem>> -> memref<512xi32, #tpu.memory_space<vmem>>
    %dma_wait3A_37 = arith.constant 0 : i32
    %dma_wait3A_38 = arith.constant 0 : i32
    %dma_wait3A_39 = tpu.memref_slice %arg2[%dma_wait3A_37, %dma_wait3A_38] : memref<102048x64xf32, #tpu.memory_space<hbm>> -> memref<102048x64xf32, #tpu.memory_space<hbm>>
    tpu.wait_indirect_dma semaphore(%arg17 : memref<!tpu.dma_semaphore, #tpu.memory_space<semaphore_mem>>) src(%dma_wait3A_39 : memref<102048x64xf32, #tpu.memory_space<hbm>>) dst(%arg11 : memref<512x64xf32, #tpu.memory_space<vmem>>)
    %add3A_40 = arith.constant 1024 : i32
    %add3A_41 = arith.addi %mul3A_2, %add3A_40 : i32
    "tpu.region"() ({
      %run_scoped3A = tpu.sem_alloc : memref<!tpu.dma_semaphore, #tpu.memory_space<semaphore_mem>>
      %dma_start3A_207 = arith.constant 0 : i32
      %dma_start3A_208 = tpu.memref_slice %arg7[%add3A_41, %dma_start3A_207] : memref<262144x64xf32, #tpu.memory_space<hbm>> -> memref<512x64xf32, #tpu.memory_space<hbm>>
      %dma_start3A_209 = arith.constant 0 : i32
      %dma_start3A_210 = tpu.memref_slice %arg7[%add3A_41, %dma_start3A_209] : memref<262144x64xf32, #tpu.memory_space<hbm>> -> memref<512x64xf32, #tpu.memory_space<hbm>>
      tpu.enqueue_dma source(%arg11 : memref<512x64xf32, #tpu.memory_space<vmem>>) target(%dma_start3A_210 : memref<512x64xf32, #tpu.memory_space<hbm>>) target_semaphore(%run_scoped3A : memref<!tpu.dma_semaphore, #tpu.memory_space<semaphore_mem>>)
      %dma_wait3A_211 = arith.constant 0 : i32
      %dma_wait3A_212 = tpu.memref_slice %arg7[%add3A_41, %dma_wait3A_211] : memref<262144x64xf32, #tpu.memory_space<hbm>> -> memref<512x64xf32, #tpu.memory_space<hbm>>
      %dma_wait3A_213 = arith.constant 0 : i32
      %dma_wait3A_214 = tpu.memref_slice %arg7[%add3A_41, %dma_wait3A_213] : memref<262144x64xf32, #tpu.memory_space<hbm>> -> memref<512x64xf32, #tpu.memory_space<hbm>>
      tpu.wait_dma2 semaphore(%run_scoped3A : memref<!tpu.dma_semaphore, #tpu.memory_space<semaphore_mem>>) src(%arg11 : memref<512x64xf32, #tpu.memory_space<vmem>>) dst(%dma_wait3A_214 : memref<512x64xf32, #tpu.memory_space<hbm>>)
      tpu.yield
    }) : () -> ()
    %dma_start3A_42 = arith.constant 2048 : i32
    %dma_start3A_43 = tpu.memref_slice %arg10[%dma_start3A_42] : memref<8192xi32, #tpu.memory_space<vmem>> -> memref<512xi32, #tpu.memory_space<vmem>>
    %dma_start3A_44 = arith.constant 0 : i32
    %dma_start3A_45 = arith.constant 0 : i32
    %dma_start3A_46 = tpu.memref_slice %arg2[%dma_start3A_44, %dma_start3A_45] : memref<102048x64xf32, #tpu.memory_space<hbm>> -> memref<102048x64xf32, #tpu.memory_space<hbm>>
    tpu.enqueue_indirect_dma source(%dma_start3A_46 : memref<102048x64xf32, #tpu.memory_space<hbm>>) target(%arg11 : memref<512x64xf32, #tpu.memory_space<vmem>>) offsets(%dma_start3A_43 : memref<512xi32, #tpu.memory_space<vmem>>) semaphore(%arg17 : memref<!tpu.dma_semaphore, #tpu.memory_space<semaphore_mem>>)
    %dma_wait3A_47 = arith.constant 1536 : i32
    %dma_wait3A_48 = tpu.memref_slice %arg10[%dma_wait3A_47] : memref<8192xi32, #tpu.memory_space<vmem>> -> memref<512xi32, #tpu.memory_space<vmem>>
    %dma_wait3A_49 = arith.constant 0 : i32
    %dma_wait3A_50 = arith.constant 0 : i32
    %dma_wait3A_51 = tpu.memref_slice %arg2[%dma_wait3A_49, %dma_wait3A_50] : memref<102048x64xf32, #tpu.memory_space<hbm>> -> memref<102048x64xf32, #tpu.memory_space<hbm>>
    tpu.wait_indirect_dma semaphore(%arg18 : memref<!tpu.dma_semaphore, #tpu.memory_space<semaphore_mem>>) src(%dma_wait3A_51 : memref<102048x64xf32, #tpu.memory_space<hbm>>) dst(%arg12 : memref<512x64xf32, #tpu.memory_space<vmem>>)
    %add3A_52 = arith.constant 1536 : i32
    %add3A_53 = arith.addi %mul3A_2, %add3A_52 : i32
    "tpu.region"() ({
      %run_scoped3A = tpu.sem_alloc : memref<!tpu.dma_semaphore, #tpu.memory_space<semaphore_mem>>
      %dma_start3A_207 = arith.constant 0 : i32
      %dma_start3A_208 = tpu.memref_slice %arg7[%add3A_53, %dma_start3A_207] : memref<262144x64xf32, #tpu.memory_space<hbm>> -> memref<512x64xf32, #tpu.memory_space<hbm>>
      %dma_start3A_209 = arith.constant 0 : i32
      %dma_start3A_210 = tpu.memref_slice %arg7[%add3A_53, %dma_start3A_209] : memref<262144x64xf32, #tpu.memory_space<hbm>> -> memref<512x64xf32, #tpu.memory_space<hbm>>
      tpu.enqueue_dma source(%arg12 : memref<512x64xf32, #tpu.memory_space<vmem>>) target(%dma_start3A_210 : memref<512x64xf32, #tpu.memory_space<hbm>>) target_semaphore(%run_scoped3A : memref<!tpu.dma_semaphore, #tpu.memory_space<semaphore_mem>>)
      %dma_wait3A_211 = arith.constant 0 : i32
      %dma_wait3A_212 = tpu.memref_slice %arg7[%add3A_53, %dma_wait3A_211] : memref<262144x64xf32, #tpu.memory_space<hbm>> -> memref<512x64xf32, #tpu.memory_space<hbm>>
      %dma_wait3A_213 = arith.constant 0 : i32
      %dma_wait3A_214 = tpu.memref_slice %arg7[%add3A_53, %dma_wait3A_213] : memref<262144x64xf32, #tpu.memory_space<hbm>> -> memref<512x64xf32, #tpu.memory_space<hbm>>
      tpu.wait_dma2 semaphore(%run_scoped3A : memref<!tpu.dma_semaphore, #tpu.memory_space<semaphore_mem>>) src(%arg12 : memref<512x64xf32, #tpu.memory_space<vmem>>) dst(%dma_wait3A_214 : memref<512x64xf32, #tpu.memory_space<hbm>>)
      tpu.yield
    }) : () -> ()
    %dma_start3A_54 = arith.constant 2560 : i32
    %dma_start3A_55 = tpu.memref_slice %arg10[%dma_start3A_54] : memref<8192xi32, #tpu.memory_space<vmem>> -> memref<512xi32, #tpu.memory_space<vmem>>
    %dma_start3A_56 = arith.constant 0 : i32
    %dma_start3A_57 = arith.constant 0 : i32
    %dma_start3A_58 = tpu.memref_slice %arg2[%dma_start3A_56, %dma_start3A_57] : memref<102048x64xf32, #tpu.memory_space<hbm>> -> memref<102048x64xf32, #tpu.memory_space<hbm>>
    tpu.enqueue_indirect_dma source(%dma_start3A_58 : memref<102048x64xf32, #tpu.memory_space<hbm>>) target(%arg12 : memref<512x64xf32, #tpu.memory_space<vmem>>) offsets(%dma_start3A_55 : memref<512xi32, #tpu.memory_space<vmem>>) semaphore(%arg18 : memref<!tpu.dma_semaphore, #tpu.memory_space<semaphore_mem>>)
    %dma_wait3A_59 = arith.constant 2048 : i32
    %dma_wait3A_60 = tpu.memref_slice %arg10[%dma_wait3A_59] : memref<8192xi32, #tpu.memory_space<vmem>> -> memref<512xi32, #tpu.memory_space<vmem>>
    %dma_wait3A_61 = arith.constant 0 : i32
    %dma_wait3A_62 = arith.constant 0 : i32
    %dma_wait3A_63 = tpu.memref_slice %arg2[%dma_wait3A_61, %dma_wait3A_62] : memref<102048x64xf32, #tpu.memory_space<hbm>> -> memref<102048x64xf32, #tpu.memory_space<hbm>>
    tpu.wait_indirect_dma semaphore(%arg17 : memref<!tpu.dma_semaphore, #tpu.memory_space<semaphore_mem>>) src(%dma_wait3A_63 : memref<102048x64xf32, #tpu.memory_space<hbm>>) dst(%arg11 : memref<512x64xf32, #tpu.memory_space<vmem>>)
    %add3A_64 = arith.constant 2048 : i32
    %add3A_65 = arith.addi %mul3A_2, %add3A_64 : i32
    "tpu.region"() ({
      %run_scoped3A = tpu.sem_alloc : memref<!tpu.dma_semaphore, #tpu.memory_space<semaphore_mem>>
      %dma_start3A_207 = arith.constant 0 : i32
      %dma_start3A_208 = tpu.memref_slice %arg7[%add3A_65, %dma_start3A_207] : memref<262144x64xf32, #tpu.memory_space<hbm>> -> memref<512x64xf32, #tpu.memory_space<hbm>>
      %dma_start3A_209 = arith.constant 0 : i32
      %dma_start3A_210 = tpu.memref_slice %arg7[%add3A_65, %dma_start3A_209] : memref<262144x64xf32, #tpu.memory_space<hbm>> -> memref<512x64xf32, #tpu.memory_space<hbm>>
      tpu.enqueue_dma source(%arg11 : memref<512x64xf32, #tpu.memory_space<vmem>>) target(%dma_start3A_210 : memref<512x64xf32, #tpu.memory_space<hbm>>) target_semaphore(%run_scoped3A : memref<!tpu.dma_semaphore, #tpu.memory_space<semaphore_mem>>)
      %dma_wait3A_211 = arith.constant 0 : i32
      %dma_wait3A_212 = tpu.memref_slice %arg7[%add3A_65, %dma_wait3A_211] : memref<262144x64xf32, #tpu.memory_space<hbm>> -> memref<512x64xf32, #tpu.memory_space<hbm>>
      %dma_wait3A_213 = arith.constant 0 : i32
      %dma_wait3A_214 = tpu.memref_slice %arg7[%add3A_65, %dma_wait3A_213] : memref<262144x64xf32, #tpu.memory_space<hbm>> -> memref<512x64xf32, #tpu.memory_space<hbm>>
      tpu.wait_dma2 semaphore(%run_scoped3A : memref<!tpu.dma_semaphore, #tpu.memory_space<semaphore_mem>>) src(%arg11 : memref<512x64xf32, #tpu.memory_space<vmem>>) dst(%dma_wait3A_214 : memref<512x64xf32, #tpu.memory_space<hbm>>)
      tpu.yield
    }) : () -> ()
    %dma_start3A_66 = arith.constant 3072 : i32
    %dma_start3A_67 = tpu.memref_slice %arg10[%dma_start3A_66] : memref<8192xi32, #tpu.memory_space<vmem>> -> memref<512xi32, #tpu.memory_space<vmem>>
    %dma_start3A_68 = arith.constant 0 : i32
    %dma_start3A_69 = arith.constant 0 : i32
    %dma_start3A_70 = tpu.memref_slice %arg2[%dma_start3A_68, %dma_start3A_69] : memref<102048x64xf32, #tpu.memory_space<hbm>> -> memref<102048x64xf32, #tpu.memory_space<hbm>>
    tpu.enqueue_indirect_dma source(%dma_start3A_70 : memref<102048x64xf32, #tpu.memory_space<hbm>>) target(%arg11 : memref<512x64xf32, #tpu.memory_space<vmem>>) offsets(%dma_start3A_67 : memref<512xi32, #tpu.memory_space<vmem>>) semaphore(%arg17 : memref<!tpu.dma_semaphore, #tpu.memory_space<semaphore_mem>>)
    %dma_wait3A_71 = arith.constant 2560 : i32
    %dma_wait3A_72 = tpu.memref_slice %arg10[%dma_wait3A_71] : memref<8192xi32, #tpu.memory_space<vmem>> -> memref<512xi32, #tpu.memory_space<vmem>>
    %dma_wait3A_73 = arith.constant 0 : i32
    %dma_wait3A_74 = arith.constant 0 : i32
    %dma_wait3A_75 = tpu.memref_slice %arg2[%dma_wait3A_73, %dma_wait3A_74] : memref<102048x64xf32, #tpu.memory_space<hbm>> -> memref<102048x64xf32, #tpu.memory_space<hbm>>
    tpu.wait_indirect_dma semaphore(%arg18 : memref<!tpu.dma_semaphore, #tpu.memory_space<semaphore_mem>>) src(%dma_wait3A_75 : memref<102048x64xf32, #tpu.memory_space<hbm>>) dst(%arg12 : memref<512x64xf32, #tpu.memory_space<vmem>>)
    %add3A_76 = arith.constant 2560 : i32
    %add3A_77 = arith.addi %mul3A_2, %add3A_76 : i32
    "tpu.region"() ({
      %run_scoped3A = tpu.sem_alloc : memref<!tpu.dma_semaphore, #tpu.memory_space<semaphore_mem>>
      %dma_start3A_207 = arith.constant 0 : i32
      %dma_start3A_208 = tpu.memref_slice %arg7[%add3A_77, %dma_start3A_207] : memref<262144x64xf32, #tpu.memory_space<hbm>> -> memref<512x64xf32, #tpu.memory_space<hbm>>
      %dma_start3A_209 = arith.constant 0 : i32
      %dma_start3A_210 = tpu.memref_slice %arg7[%add3A_77, %dma_start3A_209] : memref<262144x64xf32, #tpu.memory_space<hbm>> -> memref<512x64xf32, #tpu.memory_space<hbm>>
      tpu.enqueue_dma source(%arg12 : memref<512x64xf32, #tpu.memory_space<vmem>>) target(%dma_start3A_210 : memref<512x64xf32, #tpu.memory_space<hbm>>) target_semaphore(%run_scoped3A : memref<!tpu.dma_semaphore, #tpu.memory_space<semaphore_mem>>)
      %dma_wait3A_211 = arith.constant 0 : i32
      %dma_wait3A_212 = tpu.memref_slice %arg7[%add3A_77, %dma_wait3A_211] : memref<262144x64xf32, #tpu.memory_space<hbm>> -> memref<512x64xf32, #tpu.memory_space<hbm>>
      %dma_wait3A_213 = arith.constant 0 : i32
      %dma_wait3A_214 = tpu.memref_slice %arg7[%add3A_77, %dma_wait3A_213] : memref<262144x64xf32, #tpu.memory_space<hbm>> -> memref<512x64xf32, #tpu.memory_space<hbm>>
      tpu.wait_dma2 semaphore(%run_scoped3A : memref<!tpu.dma_semaphore, #tpu.memory_space<semaphore_mem>>) src(%arg12 : memref<512x64xf32, #tpu.memory_space<vmem>>) dst(%dma_wait3A_214 : memref<512x64xf32, #tpu.memory_space<hbm>>)
      tpu.yield
    }) : () -> ()
    %dma_start3A_78 = arith.constant 3584 : i32
    %dma_start3A_79 = tpu.memref_slice %arg10[%dma_start3A_78] : memref<8192xi32, #tpu.memory_space<vmem>> -> memref<512xi32, #tpu.memory_space<vmem>>
    %dma_start3A_80 = arith.constant 0 : i32
    %dma_start3A_81 = arith.constant 0 : i32
    %dma_start3A_82 = tpu.memref_slice %arg2[%dma_start3A_80, %dma_start3A_81] : memref<102048x64xf32, #tpu.memory_space<hbm>> -> memref<102048x64xf32, #tpu.memory_space<hbm>>
    tpu.enqueue_indirect_dma source(%dma_start3A_82 : memref<102048x64xf32, #tpu.memory_space<hbm>>) target(%arg12 : memref<512x64xf32, #tpu.memory_space<vmem>>) offsets(%dma_start3A_79 : memref<512xi32, #tpu.memory_space<vmem>>) semaphore(%arg18 : memref<!tpu.dma_semaphore, #tpu.memory_space<semaphore_mem>>)
    %dma_wait3A_83 = arith.constant 3072 : i32
    %dma_wait3A_84 = tpu.memref_slice %arg10[%dma_wait3A_83] : memref<8192xi32, #tpu.memory_space<vmem>> -> memref<512xi32, #tpu.memory_space<vmem>>
    %dma_wait3A_85 = arith.constant 0 : i32
    %dma_wait3A_86 = arith.constant 0 : i32
    %dma_wait3A_87 = tpu.memref_slice %arg2[%dma_wait3A_85, %dma_wait3A_86] : memref<102048x64xf32, #tpu.memory_space<hbm>> -> memref<102048x64xf32, #tpu.memory_space<hbm>>
    tpu.wait_indirect_dma semaphore(%arg17 : memref<!tpu.dma_semaphore, #tpu.memory_space<semaphore_mem>>) src(%dma_wait3A_87 : memref<102048x64xf32, #tpu.memory_space<hbm>>) dst(%arg11 : memref<512x64xf32, #tpu.memory_space<vmem>>)
    %add3A_88 = arith.constant 3072 : i32
    %add3A_89 = arith.addi %mul3A_2, %add3A_88 : i32
    "tpu.region"() ({
      %run_scoped3A = tpu.sem_alloc : memref<!tpu.dma_semaphore, #tpu.memory_space<semaphore_mem>>
      %dma_start3A_207 = arith.constant 0 : i32
      %dma_start3A_208 = tpu.memref_slice %arg7[%add3A_89, %dma_start3A_207] : memref<262144x64xf32, #tpu.memory_space<hbm>> -> memref<512x64xf32, #tpu.memory_space<hbm>>
      %dma_start3A_209 = arith.constant 0 : i32
      %dma_start3A_210 = tpu.memref_slice %arg7[%add3A_89, %dma_start3A_209] : memref<262144x64xf32, #tpu.memory_space<hbm>> -> memref<512x64xf32, #tpu.memory_space<hbm>>
      tpu.enqueue_dma source(%arg11 : memref<512x64xf32, #tpu.memory_space<vmem>>) target(%dma_start3A_210 : memref<512x64xf32, #tpu.memory_space<hbm>>) target_semaphore(%run_scoped3A : memref<!tpu.dma_semaphore, #tpu.memory_space<semaphore_mem>>)
      %dma_wait3A_211 = arith.constant 0 : i32
      %dma_wait3A_212 = tpu.memref_slice %arg7[%add3A_89, %dma_wait3A_211] : memref<262144x64xf32, #tpu.memory_space<hbm>> -> memref<512x64xf32, #tpu.memory_space<hbm>>
      %dma_wait3A_213 = arith.constant 0 : i32
      %dma_wait3A_214 = tpu.memref_slice %arg7[%add3A_89, %dma_wait3A_213] : memref<262144x64xf32, #tpu.memory_space<hbm>> -> memref<512x64xf32, #tpu.memory_space<hbm>>
      tpu.wait_dma2 semaphore(%run_scoped3A : memref<!tpu.dma_semaphore, #tpu.memory_space<semaphore_mem>>) src(%arg11 : memref<512x64xf32, #tpu.memory_space<vmem>>) dst(%dma_wait3A_214 : memref<512x64xf32, #tpu.memory_space<hbm>>)
      tpu.yield
    }) : () -> ()
    %dma_start3A_90 = arith.constant 4096 : i32
    %dma_start3A_91 = tpu.memref_slice %arg10[%dma_start3A_90] : memref<8192xi32, #tpu.memory_space<vmem>> -> memref<512xi32, #tpu.memory_space<vmem>>
    %dma_start3A_92 = arith.constant 0 : i32
    %dma_start3A_93 = arith.constant 0 : i32
    %dma_start3A_94 = tpu.memref_slice %arg2[%dma_start3A_92, %dma_start3A_93] : memref<102048x64xf32, #tpu.memory_space<hbm>> -> memref<102048x64xf32, #tpu.memory_space<hbm>>
    tpu.enqueue_indirect_dma source(%dma_start3A_94 : memref<102048x64xf32, #tpu.memory_space<hbm>>) target(%arg11 : memref<512x64xf32, #tpu.memory_space<vmem>>) offsets(%dma_start3A_91 : memref<512xi32, #tpu.memory_space<vmem>>) semaphore(%arg17 : memref<!tpu.dma_semaphore, #tpu.memory_space<semaphore_mem>>)
    %dma_wait3A_95 = arith.constant 3584 : i32
    %dma_wait3A_96 = tpu.memref_slice %arg10[%dma_wait3A_95] : memref<8192xi32, #tpu.memory_space<vmem>> -> memref<512xi32, #tpu.memory_space<vmem>>
    %dma_wait3A_97 = arith.constant 0 : i32
    %dma_wait3A_98 = arith.constant 0 : i32
    %dma_wait3A_99 = tpu.memref_slice %arg2[%dma_wait3A_97, %dma_wait3A_98] : memref<102048x64xf32, #tpu.memory_space<hbm>> -> memref<102048x64xf32, #tpu.memory_space<hbm>>
    tpu.wait_indirect_dma semaphore(%arg18 : memref<!tpu.dma_semaphore, #tpu.memory_space<semaphore_mem>>) src(%dma_wait3A_99 : memref<102048x64xf32, #tpu.memory_space<hbm>>) dst(%arg12 : memref<512x64xf32, #tpu.memory_space<vmem>>)
    %add3A_100 = arith.constant 3584 : i32
    %add3A_101 = arith.addi %mul3A_2, %add3A_100 : i32
    "tpu.region"() ({
      %run_scoped3A = tpu.sem_alloc : memref<!tpu.dma_semaphore, #tpu.memory_space<semaphore_mem>>
      %dma_start3A_207 = arith.constant 0 : i32
      %dma_start3A_208 = tpu.memref_slice %arg7[%add3A_101, %dma_start3A_207] : memref<262144x64xf32, #tpu.memory_space<hbm>> -> memref<512x64xf32, #tpu.memory_space<hbm>>
      %dma_start3A_209 = arith.constant 0 : i32
      %dma_start3A_210 = tpu.memref_slice %arg7[%add3A_101, %dma_start3A_209] : memref<262144x64xf32, #tpu.memory_space<hbm>> -> memref<512x64xf32, #tpu.memory_space<hbm>>
      tpu.enqueue_dma source(%arg12 : memref<512x64xf32, #tpu.memory_space<vmem>>) target(%dma_start3A_210 : memref<512x64xf32, #tpu.memory_space<hbm>>) target_semaphore(%run_scoped3A : memref<!tpu.dma_semaphore, #tpu.memory_space<semaphore_mem>>)
      %dma_wait3A_211 = arith.constant 0 : i32
      %dma_wait3A_212 = tpu.memref_slice %arg7[%add3A_101, %dma_wait3A_211] : memref<262144x64xf32, #tpu.memory_space<hbm>> -> memref<512x64xf32, #tpu.memory_space<hbm>>
      %dma_wait3A_213 = arith.constant 0 : i32
      %dma_wait3A_214 = tpu.memref_slice %arg7[%add3A_101, %dma_wait3A_213] : memref<262144x64xf32, #tpu.memory_space<hbm>> -> memref<512x64xf32, #tpu.memory_space<hbm>>
      tpu.wait_dma2 semaphore(%run_scoped3A : memref<!tpu.dma_semaphore, #tpu.memory_space<semaphore_mem>>) src(%arg12 : memref<512x64xf32, #tpu.memory_space<vmem>>) dst(%dma_wait3A_214 : memref<512x64xf32, #tpu.memory_space<hbm>>)
      tpu.yield
    }) : () -> ()
    %dma_start3A_102 = arith.constant 4608 : i32
    %dma_start3A_103 = tpu.memref_slice %arg10[%dma_start3A_102] : memref<8192xi32, #tpu.memory_space<vmem>> -> memref<512xi32, #tpu.memory_space<vmem>>
    %dma_start3A_104 = arith.constant 0 : i32
    %dma_start3A_105 = arith.constant 0 : i32
    %dma_start3A_106 = tpu.memref_slice %arg2[%dma_start3A_104, %dma_start3A_105] : memref<102048x64xf32, #tpu.memory_space<hbm>> -> memref<102048x64xf32, #tpu.memory_space<hbm>>
    tpu.enqueue_indirect_dma source(%dma_start3A_106 : memref<102048x64xf32, #tpu.memory_space<hbm>>) target(%arg12 : memref<512x64xf32, #tpu.memory_space<vmem>>) offsets(%dma_start3A_103 : memref<512xi32, #tpu.memory_space<vmem>>) semaphore(%arg18 : memref<!tpu.dma_semaphore, #tpu.memory_space<semaphore_mem>>)
    %dma_wait3A_107 = arith.constant 4096 : i32
    %dma_wait3A_108 = tpu.memref_slice %arg10[%dma_wait3A_107] : memref<8192xi32, #tpu.memory_space<vmem>> -> memref<512xi32, #tpu.memory_space<vmem>>
    %dma_wait3A_109 = arith.constant 0 : i32
    %dma_wait3A_110 = arith.constant 0 : i32
    %dma_wait3A_111 = tpu.memref_slice %arg2[%dma_wait3A_109, %dma_wait3A_110] : memref<102048x64xf32, #tpu.memory_space<hbm>> -> memref<102048x64xf32, #tpu.memory_space<hbm>>
    tpu.wait_indirect_dma semaphore(%arg17 : memref<!tpu.dma_semaphore, #tpu.memory_space<semaphore_mem>>) src(%dma_wait3A_111 : memref<102048x64xf32, #tpu.memory_space<hbm>>) dst(%arg11 : memref<512x64xf32, #tpu.memory_space<vmem>>)
    %add3A_112 = arith.constant 4096 : i32
    %add3A_113 = arith.addi %mul3A_2, %add3A_112 : i32
    "tpu.region"() ({
      %run_scoped3A = tpu.sem_alloc : memref<!tpu.dma_semaphore, #tpu.memory_space<semaphore_mem>>
      %dma_start3A_207 = arith.constant 0 : i32
      %dma_start3A_208 = tpu.memref_slice %arg7[%add3A_113, %dma_start3A_207] : memref<262144x64xf32, #tpu.memory_space<hbm>> -> memref<512x64xf32, #tpu.memory_space<hbm>>
      %dma_start3A_209 = arith.constant 0 : i32
      %dma_start3A_210 = tpu.memref_slice %arg7[%add3A_113, %dma_start3A_209] : memref<262144x64xf32, #tpu.memory_space<hbm>> -> memref<512x64xf32, #tpu.memory_space<hbm>>
      tpu.enqueue_dma source(%arg11 : memref<512x64xf32, #tpu.memory_space<vmem>>) target(%dma_start3A_210 : memref<512x64xf32, #tpu.memory_space<hbm>>) target_semaphore(%run_scoped3A : memref<!tpu.dma_semaphore, #tpu.memory_space<semaphore_mem>>)
      %dma_wait3A_211 = arith.constant 0 : i32
      %dma_wait3A_212 = tpu.memref_slice %arg7[%add3A_113, %dma_wait3A_211] : memref<262144x64xf32, #tpu.memory_space<hbm>> -> memref<512x64xf32, #tpu.memory_space<hbm>>
      %dma_wait3A_213 = arith.constant 0 : i32
      %dma_wait3A_214 = tpu.memref_slice %arg7[%add3A_113, %dma_wait3A_213] : memref<262144x64xf32, #tpu.memory_space<hbm>> -> memref<512x64xf32, #tpu.memory_space<hbm>>
      tpu.wait_dma2 semaphore(%run_scoped3A : memref<!tpu.dma_semaphore, #tpu.memory_space<semaphore_mem>>) src(%arg11 : memref<512x64xf32, #tpu.memory_space<vmem>>) dst(%dma_wait3A_214 : memref<512x64xf32, #tpu.memory_space<hbm>>)
      tpu.yield
    }) : () -> ()
    %dma_start3A_114 = arith.constant 5120 : i32
    %dma_start3A_115 = tpu.memref_slice %arg10[%dma_start3A_114] : memref<8192xi32, #tpu.memory_space<vmem>> -> memref<512xi32, #tpu.memory_space<vmem>>
    %dma_start3A_116 = arith.constant 0 : i32
    %dma_start3A_117 = arith.constant 0 : i32
    %dma_start3A_118 = tpu.memref_slice %arg2[%dma_start3A_116, %dma_start3A_117] : memref<102048x64xf32, #tpu.memory_space<hbm>> -> memref<102048x64xf32, #tpu.memory_space<hbm>>
    tpu.enqueue_indirect_dma source(%dma_start3A_118 : memref<102048x64xf32, #tpu.memory_space<hbm>>) target(%arg11 : memref<512x64xf32, #tpu.memory_space<vmem>>) offsets(%dma_start3A_115 : memref<512xi32, #tpu.memory_space<vmem>>) semaphore(%arg17 : memref<!tpu.dma_semaphore, #tpu.memory_space<semaphore_mem>>)
    %dma_wait3A_119 = arith.constant 4608 : i32
    %dma_wait3A_120 = tpu.memref_slice %arg10[%dma_wait3A_119] : memref<8192xi32, #tpu.memory_space<vmem>> -> memref<512xi32, #tpu.memory_space<vmem>>
    %dma_wait3A_121 = arith.constant 0 : i32
    %dma_wait3A_122 = arith.constant 0 : i32
    %dma_wait3A_123 = tpu.memref_slice %arg2[%dma_wait3A_121, %dma_wait3A_122] : memref<102048x64xf32, #tpu.memory_space<hbm>> -> memref<102048x64xf32, #tpu.memory_space<hbm>>
    tpu.wait_indirect_dma semaphore(%arg18 : memref<!tpu.dma_semaphore, #tpu.memory_space<semaphore_mem>>) src(%dma_wait3A_123 : memref<102048x64xf32, #tpu.memory_space<hbm>>) dst(%arg12 : memref<512x64xf32, #tpu.memory_space<vmem>>)
    %add3A_124 = arith.constant 4608 : i32
    %add3A_125 = arith.addi %mul3A_2, %add3A_124 : i32
    "tpu.region"() ({
      %run_scoped3A = tpu.sem_alloc : memref<!tpu.dma_semaphore, #tpu.memory_space<semaphore_mem>>
      %dma_start3A_207 = arith.constant 0 : i32
      %dma_start3A_208 = tpu.memref_slice %arg7[%add3A_125, %dma_start3A_207] : memref<262144x64xf32, #tpu.memory_space<hbm>> -> memref<512x64xf32, #tpu.memory_space<hbm>>
      %dma_start3A_209 = arith.constant 0 : i32
      %dma_start3A_210 = tpu.memref_slice %arg7[%add3A_125, %dma_start3A_209] : memref<262144x64xf32, #tpu.memory_space<hbm>> -> memref<512x64xf32, #tpu.memory_space<hbm>>
      tpu.enqueue_dma source(%arg12 : memref<512x64xf32, #tpu.memory_space<vmem>>) target(%dma_start3A_210 : memref<512x64xf32, #tpu.memory_space<hbm>>) target_semaphore(%run_scoped3A : memref<!tpu.dma_semaphore, #tpu.memory_space<semaphore_mem>>)
      %dma_wait3A_211 = arith.constant 0 : i32
      %dma_wait3A_212 = tpu.memref_slice %arg7[%add3A_125, %dma_wait3A_211] : memref<262144x64xf32, #tpu.memory_space<hbm>> -> memref<512x64xf32, #tpu.memory_space<hbm>>
      %dma_wait3A_213 = arith.constant 0 : i32
      %dma_wait3A_214 = tpu.memref_slice %arg7[%add3A_125, %dma_wait3A_213] : memref<262144x64xf32, #tpu.memory_space<hbm>> -> memref<512x64xf32, #tpu.memory_space<hbm>>
      tpu.wait_dma2 semaphore(%run_scoped3A : memref<!tpu.dma_semaphore, #tpu.memory_space<semaphore_mem>>) src(%arg12 : memref<512x64xf32, #tpu.memory_space<vmem>>) dst(%dma_wait3A_214 : memref<512x64xf32, #tpu.memory_space<hbm>>)
      tpu.yield
    }) : () -> ()
    %dma_start3A_126 = arith.constant 5632 : i32
    %dma_start3A_127 = tpu.memref_slice %arg10[%dma_start3A_126] : memref<8192xi32, #tpu.memory_space<vmem>> -> memref<512xi32, #tpu.memory_space<vmem>>
    %dma_start3A_128 = arith.constant 0 : i32
    %dma_start3A_129 = arith.constant 0 : i32
    %dma_start3A_130 = tpu.memref_slice %arg2[%dma_start3A_128, %dma_start3A_129] : memref<102048x64xf32, #tpu.memory_space<hbm>> -> memref<102048x64xf32, #tpu.memory_space<hbm>>
    tpu.enqueue_indirect_dma source(%dma_start3A_130 : memref<102048x64xf32, #tpu.memory_space<hbm>>) target(%arg12 : memref<512x64xf32, #tpu.memory_space<vmem>>) offsets(%dma_start3A_127 : memref<512xi32, #tpu.memory_space<vmem>>) semaphore(%arg18 : memref<!tpu.dma_semaphore, #tpu.memory_space<semaphore_mem>>)
    %dma_wait3A_131 = arith.constant 5120 : i32
    %dma_wait3A_132 = tpu.memref_slice %arg10[%dma_wait3A_131] : memref<8192xi32, #tpu.memory_space<vmem>> -> memref<512xi32, #tpu.memory_space<vmem>>
    %dma_wait3A_133 = arith.constant 0 : i32
    %dma_wait3A_134 = arith.constant 0 : i32
    %dma_wait3A_135 = tpu.memref_slice %arg2[%dma_wait3A_133, %dma_wait3A_134] : memref<102048x64xf32, #tpu.memory_space<hbm>> -> memref<102048x64xf32, #tpu.memory_space<hbm>>
    tpu.wait_indirect_dma semaphore(%arg17 : memref<!tpu.dma_semaphore, #tpu.memory_space<semaphore_mem>>) src(%dma_wait3A_135 : memref<102048x64xf32, #tpu.memory_space<hbm>>) dst(%arg11 : memref<512x64xf32, #tpu.memory_space<vmem>>)
    %add3A_136 = arith.constant 5120 : i32
    %add3A_137 = arith.addi %mul3A_2, %add3A_136 : i32
    "tpu.region"() ({
      %run_scoped3A = tpu.sem_alloc : memref<!tpu.dma_semaphore, #tpu.memory_space<semaphore_mem>>
      %dma_start3A_207 = arith.constant 0 : i32
      %dma_start3A_208 = tpu.memref_slice %arg7[%add3A_137, %dma_start3A_207] : memref<262144x64xf32, #tpu.memory_space<hbm>> -> memref<512x64xf32, #tpu.memory_space<hbm>>
      %dma_start3A_209 = arith.constant 0 : i32
      %dma_start3A_210 = tpu.memref_slice %arg7[%add3A_137, %dma_start3A_209] : memref<262144x64xf32, #tpu.memory_space<hbm>> -> memref<512x64xf32, #tpu.memory_space<hbm>>
      tpu.enqueue_dma source(%arg11 : memref<512x64xf32, #tpu.memory_space<vmem>>) target(%dma_start3A_210 : memref<512x64xf32, #tpu.memory_space<hbm>>) target_semaphore(%run_scoped3A : memref<!tpu.dma_semaphore, #tpu.memory_space<semaphore_mem>>)
      %dma_wait3A_211 = arith.constant 0 : i32
      %dma_wait3A_212 = tpu.memref_slice %arg7[%add3A_137, %dma_wait3A_211] : memref<262144x64xf32, #tpu.memory_space<hbm>> -> memref<512x64xf32, #tpu.memory_space<hbm>>
      %dma_wait3A_213 = arith.constant 0 : i32
      %dma_wait3A_214 = tpu.memref_slice %arg7[%add3A_137, %dma_wait3A_213] : memref<262144x64xf32, #tpu.memory_space<hbm>> -> memref<512x64xf32, #tpu.memory_space<hbm>>
      tpu.wait_dma2 semaphore(%run_scoped3A : memref<!tpu.dma_semaphore, #tpu.memory_space<semaphore_mem>>) src(%arg11 : memref<512x64xf32, #tpu.memory_space<vmem>>) dst(%dma_wait3A_214 : memref<512x64xf32, #tpu.memory_space<hbm>>)
      tpu.yield
    }) : () -> ()
    %dma_start3A_138 = arith.constant 6144 : i32
    %dma_start3A_139 = tpu.memref_slice %arg10[%dma_start3A_138] : memref<8192xi32, #tpu.memory_space<vmem>> -> memref<512xi32, #tpu.memory_space<vmem>>
    %dma_start3A_140 = arith.constant 0 : i32
    %dma_start3A_141 = arith.constant 0 : i32
    %dma_start3A_142 = tpu.memref_slice %arg2[%dma_start3A_140, %dma_start3A_141] : memref<102048x64xf32, #tpu.memory_space<hbm>> -> memref<102048x64xf32, #tpu.memory_space<hbm>>
    tpu.enqueue_indirect_dma source(%dma_start3A_142 : memref<102048x64xf32, #tpu.memory_space<hbm>>) target(%arg11 : memref<512x64xf32, #tpu.memory_space<vmem>>) offsets(%dma_start3A_139 : memref<512xi32, #tpu.memory_space<vmem>>) semaphore(%arg17 : memref<!tpu.dma_semaphore, #tpu.memory_space<semaphore_mem>>)
    %dma_wait3A_143 = arith.constant 5632 : i32
    %dma_wait3A_144 = tpu.memref_slice %arg10[%dma_wait3A_143] : memref<8192xi32, #tpu.memory_space<vmem>> -> memref<512xi32, #tpu.memory_space<vmem>>
    %dma_wait3A_145 = arith.constant 0 : i32
    %dma_wait3A_146 = arith.constant 0 : i32
    %dma_wait3A_147 = tpu.memref_slice %arg2[%dma_wait3A_145, %dma_wait3A_146] : memref<102048x64xf32, #tpu.memory_space<hbm>> -> memref<102048x64xf32, #tpu.memory_space<hbm>>
    tpu.wait_indirect_dma semaphore(%arg18 : memref<!tpu.dma_semaphore, #tpu.memory_space<semaphore_mem>>) src(%dma_wait3A_147 : memref<102048x64xf32, #tpu.memory_space<hbm>>) dst(%arg12 : memref<512x64xf32, #tpu.memory_space<vmem>>)
    %add3A_148 = arith.constant 5632 : i32
    %add3A_149 = arith.addi %mul3A_2, %add3A_148 : i32
    "tpu.region"() ({
      %run_scoped3A = tpu.sem_alloc : memref<!tpu.dma_semaphore, #tpu.memory_space<semaphore_mem>>
      %dma_start3A_207 = arith.constant 0 : i32
      %dma_start3A_208 = tpu.memref_slice %arg7[%add3A_149, %dma_start3A_207] : memref<262144x64xf32, #tpu.memory_space<hbm>> -> memref<512x64xf32, #tpu.memory_space<hbm>>
      %dma_start3A_209 = arith.constant 0 : i32
      %dma_start3A_210 = tpu.memref_slice %arg7[%add3A_149, %dma_start3A_209] : memref<262144x64xf32, #tpu.memory_space<hbm>> -> memref<512x64xf32, #tpu.memory_space<hbm>>
      tpu.enqueue_dma source(%arg12 : memref<512x64xf32, #tpu.memory_space<vmem>>) target(%dma_start3A_210 : memref<512x64xf32, #tpu.memory_space<hbm>>) target_semaphore(%run_scoped3A : memref<!tpu.dma_semaphore, #tpu.memory_space<semaphore_mem>>)
      %dma_wait3A_211 = arith.constant 0 : i32
      %dma_wait3A_212 = tpu.memref_slice %arg7[%add3A_149, %dma_wait3A_211] : memref<262144x64xf32, #tpu.memory_space<hbm>> -> memref<512x64xf32, #tpu.memory_space<hbm>>
      %dma_wait3A_213 = arith.constant 0 : i32
      %dma_wait3A_214 = tpu.memref_slice %arg7[%add3A_149, %dma_wait3A_213] : memref<262144x64xf32, #tpu.memory_space<hbm>> -> memref<512x64xf32, #tpu.memory_space<hbm>>
      tpu.wait_dma2 semaphore(%run_scoped3A : memref<!tpu.dma_semaphore, #tpu.memory_space<semaphore_mem>>) src(%arg12 : memref<512x64xf32, #tpu.memory_space<vmem>>) dst(%dma_wait3A_214 : memref<512x64xf32, #tpu.memory_space<hbm>>)
      tpu.yield
    }) : () -> ()
    %dma_start3A_150 = arith.constant 6656 : i32
    %dma_start3A_151 = tpu.memref_slice %arg10[%dma_start3A_150] : memref<8192xi32, #tpu.memory_space<vmem>> -> memref<512xi32, #tpu.memory_space<vmem>>
    %dma_start3A_152 = arith.constant 0 : i32
    %dma_start3A_153 = arith.constant 0 : i32
    %dma_start3A_154 = tpu.memref_slice %arg2[%dma_start3A_152, %dma_start3A_153] : memref<102048x64xf32, #tpu.memory_space<hbm>> -> memref<102048x64xf32, #tpu.memory_space<hbm>>
    tpu.enqueue_indirect_dma source(%dma_start3A_154 : memref<102048x64xf32, #tpu.memory_space<hbm>>) target(%arg12 : memref<512x64xf32, #tpu.memory_space<vmem>>) offsets(%dma_start3A_151 : memref<512xi32, #tpu.memory_space<vmem>>) semaphore(%arg18 : memref<!tpu.dma_semaphore, #tpu.memory_space<semaphore_mem>>)
    %dma_wait3A_155 = arith.constant 6144 : i32
    %dma_wait3A_156 = tpu.memref_slice %arg10[%dma_wait3A_155] : memref<8192xi32, #tpu.memory_space<vmem>> -> memref<512xi32, #tpu.memory_space<vmem>>
    %dma_wait3A_157 = arith.constant 0 : i32
    %dma_wait3A_158 = arith.constant 0 : i32
    %dma_wait3A_159 = tpu.memref_slice %arg2[%dma_wait3A_157, %dma_wait3A_158] : memref<102048x64xf32, #tpu.memory_space<hbm>> -> memref<102048x64xf32, #tpu.memory_space<hbm>>
    tpu.wait_indirect_dma semaphore(%arg17 : memref<!tpu.dma_semaphore, #tpu.memory_space<semaphore_mem>>) src(%dma_wait3A_159 : memref<102048x64xf32, #tpu.memory_space<hbm>>) dst(%arg11 : memref<512x64xf32, #tpu.memory_space<vmem>>)
    %add3A_160 = arith.constant 6144 : i32
    %add3A_161 = arith.addi %mul3A_2, %add3A_160 : i32
    "tpu.region"() ({
      %run_scoped3A = tpu.sem_alloc : memref<!tpu.dma_semaphore, #tpu.memory_space<semaphore_mem>>
      %dma_start3A_207 = arith.constant 0 : i32
      %dma_start3A_208 = tpu.memref_slice %arg7[%add3A_161, %dma_start3A_207] : memref<262144x64xf32, #tpu.memory_space<hbm>> -> memref<512x64xf32, #tpu.memory_space<hbm>>
      %dma_start3A_209 = arith.constant 0 : i32
      %dma_start3A_210 = tpu.memref_slice %arg7[%add3A_161, %dma_start3A_209] : memref<262144x64xf32, #tpu.memory_space<hbm>> -> memref<512x64xf32, #tpu.memory_space<hbm>>
      tpu.enqueue_dma source(%arg11 : memref<512x64xf32, #tpu.memory_space<vmem>>) target(%dma_start3A_210 : memref<512x64xf32, #tpu.memory_space<hbm>>) target_semaphore(%run_scoped3A : memref<!tpu.dma_semaphore, #tpu.memory_space<semaphore_mem>>)
      %dma_wait3A_211 = arith.constant 0 : i32
      %dma_wait3A_212 = tpu.memref_slice %arg7[%add3A_161, %dma_wait3A_211] : memref<262144x64xf32, #tpu.memory_space<hbm>> -> memref<512x64xf32, #tpu.memory_space<hbm>>
      %dma_wait3A_213 = arith.constant 0 : i32
      %dma_wait3A_214 = tpu.memref_slice %arg7[%add3A_161, %dma_wait3A_213] : memref<262144x64xf32, #tpu.memory_space<hbm>> -> memref<512x64xf32, #tpu.memory_space<hbm>>
      tpu.wait_dma2 semaphore(%run_scoped3A : memref<!tpu.dma_semaphore, #tpu.memory_space<semaphore_mem>>) src(%arg11 : memref<512x64xf32, #tpu.memory_space<vmem>>) dst(%dma_wait3A_214 : memref<512x64xf32, #tpu.memory_space<hbm>>)
      tpu.yield
    }) : () -> ()
    %dma_start3A_162 = arith.constant 7168 : i32
    %dma_start3A_163 = tpu.memref_slice %arg10[%dma_start3A_162] : memref<8192xi32, #tpu.memory_space<vmem>> -> memref<512xi32, #tpu.memory_space<vmem>>
    %dma_start3A_164 = arith.constant 0 : i32
    %dma_start3A_165 = arith.constant 0 : i32
    %dma_start3A_166 = tpu.memref_slice %arg2[%dma_start3A_164, %dma_start3A_165] : memref<102048x64xf32, #tpu.memory_space<hbm>> -> memref<102048x64xf32, #tpu.memory_space<hbm>>
    tpu.enqueue_indirect_dma source(%dma_start3A_166 : memref<102048x64xf32, #tpu.memory_space<hbm>>) target(%arg11 : memref<512x64xf32, #tpu.memory_space<vmem>>) offsets(%dma_start3A_163 : memref<512xi32, #tpu.memory_space<vmem>>) semaphore(%arg17 : memref<!tpu.dma_semaphore, #tpu.memory_space<semaphore_mem>>)
    %dma_wait3A_167 = arith.constant 6656 : i32
    %dma_wait3A_168 = tpu.memref_slice %arg10[%dma_wait3A_167] : memref<8192xi32, #tpu.memory_space<vmem>> -> memref<512xi32, #tpu.memory_space<vmem>>
    %dma_wait3A_169 = arith.constant 0 : i32
    %dma_wait3A_170 = arith.constant 0 : i32
    %dma_wait3A_171 = tpu.memref_slice %arg2[%dma_wait3A_169, %dma_wait3A_170] : memref<102048x64xf32, #tpu.memory_space<hbm>> -> memref<102048x64xf32, #tpu.memory_space<hbm>>
    tpu.wait_indirect_dma semaphore(%arg18 : memref<!tpu.dma_semaphore, #tpu.memory_space<semaphore_mem>>) src(%dma_wait3A_171 : memref<102048x64xf32, #tpu.memory_space<hbm>>) dst(%arg12 : memref<512x64xf32, #tpu.memory_space<vmem>>)
    %add3A_172 = arith.constant 6656 : i32
    %add3A_173 = arith.addi %mul3A_2, %add3A_172 : i32
    "tpu.region"() ({
      %run_scoped3A = tpu.sem_alloc : memref<!tpu.dma_semaphore, #tpu.memory_space<semaphore_mem>>
      %dma_start3A_207 = arith.constant 0 : i32
      %dma_start3A_208 = tpu.memref_slice %arg7[%add3A_173, %dma_start3A_207] : memref<262144x64xf32, #tpu.memory_space<hbm>> -> memref<512x64xf32, #tpu.memory_space<hbm>>
      %dma_start3A_209 = arith.constant 0 : i32
      %dma_start3A_210 = tpu.memref_slice %arg7[%add3A_173, %dma_start3A_209] : memref<262144x64xf32, #tpu.memory_space<hbm>> -> memref<512x64xf32, #tpu.memory_space<hbm>>
      tpu.enqueue_dma source(%arg12 : memref<512x64xf32, #tpu.memory_space<vmem>>) target(%dma_start3A_210 : memref<512x64xf32, #tpu.memory_space<hbm>>) target_semaphore(%run_scoped3A : memref<!tpu.dma_semaphore, #tpu.memory_space<semaphore_mem>>)
      %dma_wait3A_211 = arith.constant 0 : i32
      %dma_wait3A_212 = tpu.memref_slice %arg7[%add3A_173, %dma_wait3A_211] : memref<262144x64xf32, #tpu.memory_space<hbm>> -> memref<512x64xf32, #tpu.memory_space<hbm>>
      %dma_wait3A_213 = arith.constant 0 : i32
      %dma_wait3A_214 = tpu.memref_slice %arg7[%add3A_173, %dma_wait3A_213] : memref<262144x64xf32, #tpu.memory_space<hbm>> -> memref<512x64xf32, #tpu.memory_space<hbm>>
      tpu.wait_dma2 semaphore(%run_scoped3A : memref<!tpu.dma_semaphore, #tpu.memory_space<semaphore_mem>>) src(%arg12 : memref<512x64xf32, #tpu.memory_space<vmem>>) dst(%dma_wait3A_214 : memref<512x64xf32, #tpu.memory_space<hbm>>)
      tpu.yield
    }) : () -> ()
    %dma_start3A_174 = arith.constant 7680 : i32
    %dma_start3A_175 = tpu.memref_slice %arg10[%dma_start3A_174] : memref<8192xi32, #tpu.memory_space<vmem>> -> memref<512xi32, #tpu.memory_space<vmem>>
    %dma_start3A_176 = arith.constant 0 : i32
    %dma_start3A_177 = arith.constant 0 : i32
    %dma_start3A_178 = tpu.memref_slice %arg2[%dma_start3A_176, %dma_start3A_177] : memref<102048x64xf32, #tpu.memory_space<hbm>> -> memref<102048x64xf32, #tpu.memory_space<hbm>>
    tpu.enqueue_indirect_dma source(%dma_start3A_178 : memref<102048x64xf32, #tpu.memory_space<hbm>>) target(%arg12 : memref<512x64xf32, #tpu.memory_space<vmem>>) offsets(%dma_start3A_175 : memref<512xi32, #tpu.memory_space<vmem>>) semaphore(%arg18 : memref<!tpu.dma_semaphore, #tpu.memory_space<semaphore_mem>>)
    %dma_wait3A_179 = arith.constant 7168 : i32
    %dma_wait3A_180 = tpu.memref_slice %arg10[%dma_wait3A_179] : memref<8192xi32, #tpu.memory_space<vmem>> -> memref<512xi32, #tpu.memory_space<vmem>>
    %dma_wait3A_181 = arith.constant 0 : i32
    %dma_wait3A_182 = arith.constant 0 : i32
    %dma_wait3A_183 = tpu.memref_slice %arg2[%dma_wait3A_181, %dma_wait3A_182] : memref<102048x64xf32, #tpu.memory_space<hbm>> -> memref<102048x64xf32, #tpu.memory_space<hbm>>
    tpu.wait_indirect_dma semaphore(%arg17 : memref<!tpu.dma_semaphore, #tpu.memory_space<semaphore_mem>>) src(%dma_wait3A_183 : memref<102048x64xf32, #tpu.memory_space<hbm>>) dst(%arg11 : memref<512x64xf32, #tpu.memory_space<vmem>>)
    %add3A_184 = arith.constant 7168 : i32
    %add3A_185 = arith.addi %mul3A_2, %add3A_184 : i32
    "tpu.region"() ({
      %run_scoped3A = tpu.sem_alloc : memref<!tpu.dma_semaphore, #tpu.memory_space<semaphore_mem>>
      %dma_start3A_207 = arith.constant 0 : i32
      %dma_start3A_208 = tpu.memref_slice %arg7[%add3A_185, %dma_start3A_207] : memref<262144x64xf32, #tpu.memory_space<hbm>> -> memref<512x64xf32, #tpu.memory_space<hbm>>
      %dma_start3A_209 = arith.constant 0 : i32
      %dma_start3A_210 = tpu.memref_slice %arg7[%add3A_185, %dma_start3A_209] : memref<262144x64xf32, #tpu.memory_space<hbm>> -> memref<512x64xf32, #tpu.memory_space<hbm>>
      tpu.enqueue_dma source(%arg11 : memref<512x64xf32, #tpu.memory_space<vmem>>) target(%dma_start3A_210 : memref<512x64xf32, #tpu.memory_space<hbm>>) target_semaphore(%run_scoped3A : memref<!tpu.dma_semaphore, #tpu.memory_space<semaphore_mem>>)
      %dma_wait3A_211 = arith.constant 0 : i32
      %dma_wait3A_212 = tpu.memref_slice %arg7[%add3A_185, %dma_wait3A_211] : memref<262144x64xf32, #tpu.memory_space<hbm>> -> memref<512x64xf32, #tpu.memory_space<hbm>>
      %dma_wait3A_213 = arith.constant 0 : i32
      %dma_wait3A_214 = tpu.memref_slice %arg7[%add3A_185, %dma_wait3A_213] : memref<262144x64xf32, #tpu.memory_space<hbm>> -> memref<512x64xf32, #tpu.memory_space<hbm>>
      tpu.wait_dma2 semaphore(%run_scoped3A : memref<!tpu.dma_semaphore, #tpu.memory_space<semaphore_mem>>) src(%arg11 : memref<512x64xf32, #tpu.memory_space<vmem>>) dst(%dma_wait3A_214 : memref<512x64xf32, #tpu.memory_space<hbm>>)
      tpu.yield
    }) : () -> ()
    %dma_wait3A_186 = arith.constant 7680 : i32
    %dma_wait3A_187 = tpu.memref_slice %arg10[%dma_wait3A_186] : memref<8192xi32, #tpu.memory_space<vmem>> -> memref<512xi32, #tpu.memory_space<vmem>>
    %dma_wait3A_188 = arith.constant 0 : i32
    %dma_wait3A_189 = arith.constant 0 : i32
    %dma_wait3A_190 = tpu.memref_slice %arg2[%dma_wait3A_188, %dma_wait3A_189] : memref<102048x64xf32, #tpu.memory_space<hbm>> -> memref<102048x64xf32, #tpu.memory_space<hbm>>
    tpu.wait_indirect_dma semaphore(%arg18 : memref<!tpu.dma_semaphore, #tpu.memory_space<semaphore_mem>>) src(%dma_wait3A_190 : memref<102048x64xf32, #tpu.memory_space<hbm>>) dst(%arg12 : memref<512x64xf32, #tpu.memory_space<vmem>>)
    %add3A_191 = arith.constant 7680 : i32
    %add3A_192 = arith.addi %mul3A_2, %add3A_191 : i32
    "tpu.region"() ({
      %run_scoped3A = tpu.sem_alloc : memref<!tpu.dma_semaphore, #tpu.memory_space<semaphore_mem>>
      %dma_start3A_207 = arith.constant 0 : i32
      %dma_start3A_208 = tpu.memref_slice %arg7[%add3A_192, %dma_start3A_207] : memref<262144x64xf32, #tpu.memory_space<hbm>> -> memref<512x64xf32, #tpu.memory_space<hbm>>
      %dma_start3A_209 = arith.constant 0 : i32
      %dma_start3A_210 = tpu.memref_slice %arg7[%add3A_192, %dma_start3A_209] : memref<262144x64xf32, #tpu.memory_space<hbm>> -> memref<512x64xf32, #tpu.memory_space<hbm>>
      tpu.enqueue_dma source(%arg12 : memref<512x64xf32, #tpu.memory_space<vmem>>) target(%dma_start3A_210 : memref<512x64xf32, #tpu.memory_space<hbm>>) target_semaphore(%run_scoped3A : memref<!tpu.dma_semaphore, #tpu.memory_space<semaphore_mem>>)
      %dma_wait3A_211 = arith.constant 0 : i32
      %dma_wait3A_212 = tpu.memref_slice %arg7[%add3A_192, %dma_wait3A_211] : memref<262144x64xf32, #tpu.memory_space<hbm>> -> memref<512x64xf32, #tpu.memory_space<hbm>>
      %dma_wait3A_213 = arith.constant 0 : i32
      %dma_wait3A_214 = tpu.memref_slice %arg7[%add3A_192, %dma_wait3A_213] : memref<262144x64xf32, #tpu.memory_space<hbm>> -> memref<512x64xf32, #tpu.memory_space<hbm>>
      tpu.wait_dma2 semaphore(%run_scoped3A : memref<!tpu.dma_semaphore, #tpu.memory_space<semaphore_mem>>) src(%arg12 : memref<512x64xf32, #tpu.memory_space<vmem>>) dst(%dma_wait3A_214 : memref<512x64xf32, #tpu.memory_space<hbm>>)
      tpu.yield
    }) : () -> ()
    %mul3A_193 = arith.constant 128 : i32
    %mul3A_194 = arith.muli %add3A, %mul3A_193 : i32
    "tpu.region"() ({
      %run_scoped3A = tpu.sem_alloc : memref<!tpu.dma_semaphore, #tpu.memory_space<semaphore_mem>>
      %dma_start3A_207 = tpu.memref_slice %arg4[%mul3A_194] : memref<4096xi32, #tpu.memory_space<hbm>> -> memref<128xi32, #tpu.memory_space<hbm>>
      %dma_start3A_208 = tpu.memref_slice %arg4[%mul3A_194] : memref<4096xi32, #tpu.memory_space<hbm>> -> memref<128xi32, #tpu.memory_space<hbm>>
      tpu.enqueue_dma source(%dma_start3A_208 : memref<128xi32, #tpu.memory_space<hbm>>) target(%arg13 : memref<128xi32, #tpu.memory_space<vmem>>) target_semaphore(%run_scoped3A : memref<!tpu.dma_semaphore, #tpu.memory_space<semaphore_mem>>)
      %dma_wait3A_209 = tpu.memref_slice %arg4[%mul3A_194] : memref<4096xi32, #tpu.memory_space<hbm>> -> memref<128xi32, #tpu.memory_space<hbm>>
      %dma_wait3A_210 = tpu.memref_slice %arg4[%mul3A_194] : memref<4096xi32, #tpu.memory_space<hbm>> -> memref<128xi32, #tpu.memory_space<hbm>>
      tpu.wait_dma2 semaphore(%run_scoped3A : memref<!tpu.dma_semaphore, #tpu.memory_space<semaphore_mem>>) src(%dma_wait3A_210 : memref<128xi32, #tpu.memory_space<hbm>>) dst(%arg13 : memref<128xi32, #tpu.memory_space<vmem>>)
      tpu.yield
    }) : () -> ()
    %dma_start3A_195 = arith.constant 0 : i32
    %dma_start3A_196 = arith.constant 0 : i32
    %dma_start3A_197 = tpu.memref_slice %arg2[%dma_start3A_195, %dma_start3A_196] : memref<102048x64xf32, #tpu.memory_space<hbm>> -> memref<102048x64xf32, #tpu.memory_space<hbm>>
    tpu.enqueue_indirect_dma source(%dma_start3A_197 : memref<102048x64xf32, #tpu.memory_space<hbm>>) target(%arg14 : memref<128x64xf32, #tpu.memory_space<vmem>>) offsets(%arg13 : memref<128xi32, #tpu.memory_space<vmem>>) semaphore(%arg17 : memref<!tpu.dma_semaphore, #tpu.memory_space<semaphore_mem>>)
    %dma_wait3A_198 = arith.constant 0 : i32
    %dma_wait3A_199 = arith.constant 0 : i32
    %dma_wait3A_200 = tpu.memref_slice %arg2[%dma_wait3A_198, %dma_wait3A_199] : memref<102048x64xf32, #tpu.memory_space<hbm>> -> memref<102048x64xf32, #tpu.memory_space<hbm>>
    tpu.wait_indirect_dma semaphore(%arg17 : memref<!tpu.dma_semaphore, #tpu.memory_space<semaphore_mem>>) src(%dma_wait3A_200 : memref<102048x64xf32, #tpu.memory_space<hbm>>) dst(%arg14 : memref<128x64xf32, #tpu.memory_space<vmem>>)
    "tpu.region"() ({
      %run_scoped3A = tpu.sem_alloc : memref<!tpu.dma_semaphore, #tpu.memory_space<semaphore_mem>>
      %dma_start3A_207 = arith.constant 0 : i32
      %dma_start3A_208 = tpu.memref_slice %arg8[%mul3A_194, %dma_start3A_207] : memref<4096x64xf32, #tpu.memory_space<hbm>> -> memref<128x64xf32, #tpu.memory_space<hbm>>
      %dma_start3A_209 = arith.constant 0 : i32
      %dma_start3A_210 = tpu.memref_slice %arg8[%mul3A_194, %dma_start3A_209] : memref<4096x64xf32, #tpu.memory_space<hbm>> -> memref<128x64xf32, #tpu.memory_space<hbm>>
      tpu.enqueue_dma source(%arg14 : memref<128x64xf32, #tpu.memory_space<vmem>>) target(%dma_start3A_210 : memref<128x64xf32, #tpu.memory_space<hbm>>) target_semaphore(%run_scoped3A : memref<!tpu.dma_semaphore, #tpu.memory_space<semaphore_mem>>)
      %dma_wait3A_211 = arith.constant 0 : i32
      %dma_wait3A_212 = tpu.memref_slice %arg8[%mul3A_194, %dma_wait3A_211] : memref<4096x64xf32, #tpu.memory_space<hbm>> -> memref<128x64xf32, #tpu.memory_space<hbm>>
      %dma_wait3A_213 = arith.constant 0 : i32
      %dma_wait3A_214 = tpu.memref_slice %arg8[%mul3A_194, %dma_wait3A_213] : memref<4096x64xf32, #tpu.memory_space<hbm>> -> memref<128x64xf32, #tpu.memory_space<hbm>>
      tpu.wait_dma2 semaphore(%run_scoped3A : memref<!tpu.dma_semaphore, #tpu.memory_space<semaphore_mem>>) src(%arg14 : memref<128x64xf32, #tpu.memory_space<vmem>>) dst(%dma_wait3A_214 : memref<128x64xf32, #tpu.memory_space<hbm>>)
      tpu.yield
    }) : () -> ()
    "tpu.region"() ({
      %run_scoped3A = tpu.sem_alloc : memref<!tpu.dma_semaphore, #tpu.memory_space<semaphore_mem>>
      %dma_start3A_207 = tpu.memref_slice %arg6[%mul3A_194] : memref<4096xi32, #tpu.memory_space<hbm>> -> memref<128xi32, #tpu.memory_space<hbm>>
      %dma_start3A_208 = tpu.memref_slice %arg6[%mul3A_194] : memref<4096xi32, #tpu.memory_space<hbm>> -> memref<128xi32, #tpu.memory_space<hbm>>
      tpu.enqueue_dma source(%dma_start3A_208 : memref<128xi32, #tpu.memory_space<hbm>>) target(%arg15 : memref<128xi32, #tpu.memory_space<vmem>>) target_semaphore(%run_scoped3A : memref<!tpu.dma_semaphore, #tpu.memory_space<semaphore_mem>>)
      %dma_wait3A_209 = tpu.memref_slice %arg6[%mul3A_194] : memref<4096xi32, #tpu.memory_space<hbm>> -> memref<128xi32, #tpu.memory_space<hbm>>
      %dma_wait3A_210 = tpu.memref_slice %arg6[%mul3A_194] : memref<4096xi32, #tpu.memory_space<hbm>> -> memref<128xi32, #tpu.memory_space<hbm>>
      tpu.wait_dma2 semaphore(%run_scoped3A : memref<!tpu.dma_semaphore, #tpu.memory_space<semaphore_mem>>) src(%dma_wait3A_210 : memref<128xi32, #tpu.memory_space<hbm>>) dst(%arg15 : memref<128xi32, #tpu.memory_space<vmem>>)
      tpu.yield
    }) : () -> ()
    %dma_start3A_201 = arith.constant 0 : i32
    %dma_start3A_202 = arith.constant 0 : i32
    %dma_start3A_203 = tpu.memref_slice %arg5[%dma_start3A_201, %dma_start3A_202] : memref<1000x32xf32, #tpu.memory_space<hbm>> -> memref<1000x32xf32, #tpu.memory_space<hbm>>
    tpu.enqueue_indirect_dma source(%dma_start3A_203 : memref<1000x32xf32, #tpu.memory_space<hbm>>) target(%arg16 : memref<128x32xf32, #tpu.memory_space<vmem>>) offsets(%arg15 : memref<128xi32, #tpu.memory_space<vmem>>) semaphore(%arg18 : memref<!tpu.dma_semaphore, #tpu.memory_space<semaphore_mem>>)
    %dma_wait3A_204 = arith.constant 0 : i32
    %dma_wait3A_205 = arith.constant 0 : i32
    %dma_wait3A_206 = tpu.memref_slice %arg5[%dma_wait3A_204, %dma_wait3A_205] : memref<1000x32xf32, #tpu.memory_space<hbm>> -> memref<1000x32xf32, #tpu.memory_space<hbm>>
    tpu.wait_indirect_dma semaphore(%arg18 : memref<!tpu.dma_semaphore, #tpu.memory_space<semaphore_mem>>) src(%dma_wait3A_206 : memref<1000x32xf32, #tpu.memory_space<hbm>>) dst(%arg16 : memref<128x32xf32, #tpu.memory_space<vmem>>)
    "tpu.region"() ({
      %run_scoped3A = tpu.sem_alloc : memref<!tpu.dma_semaphore, #tpu.memory_space<semaphore_mem>>
      %dma_start3A_207 = arith.constant 0 : i32
      %dma_start3A_208 = tpu.memref_slice %arg9[%mul3A_194, %dma_start3A_207] : memref<4096x32xf32, #tpu.memory_space<hbm>> -> memref<128x32xf32, #tpu.memory_space<hbm>>
      %dma_start3A_209 = arith.constant 0 : i32
      %dma_start3A_210 = tpu.memref_slice %arg9[%mul3A_194, %dma_start3A_209] : memref<4096x32xf32, #tpu.memory_space<hbm>> -> memref<128x32xf32, #tpu.memory_space<hbm>>
      tpu.enqueue_dma source(%arg16 : memref<128x32xf32, #tpu.memory_space<vmem>>) target(%dma_start3A_210 : memref<128x32xf32, #tpu.memory_space<hbm>>) target_semaphore(%run_scoped3A : memref<!tpu.dma_semaphore, #tpu.memory_space<semaphore_mem>>)
      %dma_wait3A_211 = arith.constant 0 : i32
      %dma_wait3A_212 = tpu.memref_slice %arg9[%mul3A_194, %dma_wait3A_211] : memref<4096x32xf32, #tpu.memory_space<hbm>> -> memref<128x32xf32, #tpu.memory_space<hbm>>
      %dma_wait3A_213 = arith.constant 0 : i32
      %dma_wait3A_214 = tpu.memref_slice %arg9[%mul3A_194, %dma_wait3A_213] : memref<4096x32xf32, #tpu.memory_space<hbm>> -> memref<128x32xf32, #tpu.memory_space<hbm>>
      tpu.wait_dma2 semaphore(%run_scoped3A : memref<!tpu.dma_semaphore, #tpu.memory_space<semaphore_mem>>) src(%arg16 : memref<128x32xf32, #tpu.memory_space<vmem>>) dst(%dma_wait3A_214 : memref<128x32xf32, #tpu.memory_space<hbm>>)
      tpu.yield
    }) : () -> ()
    return
  }
}

module attributes {stable_mosaic.version = 14 : i64} {
  func.func @_tc_body(%arg0: i32, %arg1: memref<16384x64xf32, #tpu.memory_space<vmem>>, %arg2: memref<256x64xf32, #tpu.memory_space<vmem>>, %arg3: memref<256x32xf32, #tpu.memory_space<vmem>>, %arg4: memref<256x8xf32, #tpu.memory_space<vmem>>, %arg5: memref<128x64xf32, #tpu.memory_space<vmem>>, %arg6: memref<1x64xf32, #tpu.memory_space<vmem>>, %arg7: memref<64x64xf32, #tpu.memory_space<vmem>>, %arg8: memref<64x32xf32, #tpu.memory_space<vmem>>, %arg9: memref<1x32xf32, #tpu.memory_space<vmem>>, %arg10: memref<32x1xf32, #tpu.memory_space<vmem>>, %arg11: memref<8x32xf32, #tpu.memory_space<vmem>>, %arg12: memref<1x32xf32, #tpu.memory_space<vmem>>, %arg13: memref<192x256xf32, #tpu.memory_space<vmem>>, %arg14: memref<1x256xf32, #tpu.memory_space<vmem>>, %arg15: memref<1x256xf32, #tpu.memory_space<vmem>>, %arg16: memref<1x256xf32, #tpu.memory_space<vmem>>, %arg17: memref<256x128xf32, #tpu.memory_space<vmem>>, %arg18: memref<1x128xf32, #tpu.memory_space<vmem>>, %arg19: memref<1x128xf32, #tpu.memory_space<vmem>>, %arg20: memref<1x128xf32, #tpu.memory_space<vmem>>, %arg21: memref<128x64xf32, #tpu.memory_space<vmem>>, %arg22: memref<1x64xf32, #tpu.memory_space<vmem>>, %arg23: memref<1x64xf32, #tpu.memory_space<vmem>>, %arg24: memref<1x64xf32, #tpu.memory_space<vmem>>, %arg25: memref<64x8xf32, #tpu.memory_space<vmem>>, %arg26: memref<1x8xf32, #tpu.memory_space<vmem>>, %arg27: memref<1x8xf32, #tpu.memory_space<vmem>>, %arg28: memref<256x8xf32, #tpu.memory_space<vmem>>) attributes {dimension_semantics = [#tpu.dimension_semantics<parallel>], iteration_bounds = array<i64: 16>, scalar_prefetch = 0 : i64, scratch_operands = 0 : i64, tpu.core_type = #tpu.core_type<tc>, window_params = [{transform_indices = @transform_0, window_bounds = array<i64: 16384, 64>}, {transform_indices = @transform_1, window_bounds = array<i64: 256, 64>}, {transform_indices = @transform_2, window_bounds = array<i64: 256, 32>}, {transform_indices = @transform_3, window_bounds = array<i64: 256, 8>}, {pipeline_mode = #tpu.pipeline_mode<synchronous>, transform_indices = @transform_4, window_bounds = array<i64: 128, 64>}, {pipeline_mode = #tpu.pipeline_mode<synchronous>, transform_indices = @transform_5, window_bounds = array<i64: 1, 64>}, {pipeline_mode = #tpu.pipeline_mode<synchronous>, transform_indices = @transform_6, window_bounds = array<i64: 64, 64>}, {pipeline_mode = #tpu.pipeline_mode<synchronous>, transform_indices = @transform_7, window_bounds = array<i64: 64, 32>}, {pipeline_mode = #tpu.pipeline_mode<synchronous>, transform_indices = @transform_8, window_bounds = array<i64: 1, 32>}, {pipeline_mode = #tpu.pipeline_mode<synchronous>, transform_indices = @transform_9, window_bounds = array<i64: 32, 1>}, {pipeline_mode = #tpu.pipeline_mode<synchronous>, transform_indices = @transform_10, window_bounds = array<i64: 8, 32>}, {pipeline_mode = #tpu.pipeline_mode<synchronous>, transform_indices = @transform_11, window_bounds = array<i64: 1, 32>}, {pipeline_mode = #tpu.pipeline_mode<synchronous>, transform_indices = @transform_12, window_bounds = array<i64: 192, 256>}, {pipeline_mode = #tpu.pipeline_mode<synchronous>, transform_indices = @transform_13, window_bounds = array<i64: 1, 256>}, {pipeline_mode = #tpu.pipeline_mode<synchronous>, transform_indices = @transform_14, window_bounds = array<i64: 1, 256>}, {pipeline_mode = #tpu.pipeline_mode<synchronous>, transform_indices = @transform_15, window_bounds = array<i64: 1, 256>}, {pipeline_mode = #tpu.pipeline_mode<synchronous>, transform_indices = @transform_16, window_bounds = array<i64: 256, 128>}, {pipeline_mode = #tpu.pipeline_mode<synchronous>, transform_indices = @transform_17, window_bounds = array<i64: 1, 128>}, {pipeline_mode = #tpu.pipeline_mode<synchronous>, transform_indices = @transform_18, window_bounds = array<i64: 1, 128>}, {pipeline_mode = #tpu.pipeline_mode<synchronous>, transform_indices = @transform_19, window_bounds = array<i64: 1, 128>}, {pipeline_mode = #tpu.pipeline_mode<synchronous>, transform_indices = @transform_20, window_bounds = array<i64: 128, 64>}, {pipeline_mode = #tpu.pipeline_mode<synchronous>, transform_indices = @transform_21, window_bounds = array<i64: 1, 64>}, {pipeline_mode = #tpu.pipeline_mode<synchronous>, transform_indices = @transform_22, window_bounds = array<i64: 1, 64>}, {pipeline_mode = #tpu.pipeline_mode<synchronous>, transform_indices = @transform_23, window_bounds = array<i64: 1, 64>}, {pipeline_mode = #tpu.pipeline_mode<synchronous>, transform_indices = @transform_24, window_bounds = array<i64: 64, 8>}, {pipeline_mode = #tpu.pipeline_mode<synchronous>, transform_indices = @transform_25, window_bounds = array<i64: 1, 8>}, {pipeline_mode = #tpu.pipeline_mode<synchronous>, transform_indices = @transform_26, window_bounds = array<i64: 1, 8>}, {transform_indices = @transform_27, window_bounds = array<i64: 256, 8>}]} {
    %get3A = arith.constant 0 : index
    %get3A_0 = arith.constant 0 : index
    %get3A_1 = vector.load %arg27[%get3A, %get3A_0] : memref<1x8xf32, #tpu.memory_space<vmem>>, vector<1x1xf32>
    %get3A_2 = vector.extract %get3A_1[0, 0] : f32 from vector<1x1xf32>
    %get3A_3 = arith.constant 0 : index
    %get3A_4 = arith.constant 1 : index
    %get3A_5 = vector.load %arg27[%get3A_3, %get3A_4] : memref<1x8xf32, #tpu.memory_space<vmem>>, vector<1x1xf32>
    %get3A_6 = vector.extract %get3A_5[0, 0] : f32 from vector<1x1xf32>
    %get3A_7 = arith.constant 0 : index
    %get3A_8 = arith.constant 2 : index
    %get3A_9 = vector.load %arg27[%get3A_7, %get3A_8] : memref<1x8xf32, #tpu.memory_space<vmem>>, vector<1x1xf32>
    %get3A_10 = vector.extract %get3A_9[0, 0] : f32 from vector<1x1xf32>
    %get3A_11 = arith.constant 0 : index
    %get3A_12 = arith.constant 3 : index
    %get3A_13 = vector.load %arg27[%get3A_11, %get3A_12] : memref<1x8xf32, #tpu.memory_space<vmem>>, vector<1x1xf32>
    %get3A_14 = vector.extract %get3A_13[0, 0] : f32 from vector<1x1xf32>
    %get3A_15 = arith.constant 0 : index
    %get3A_16 = arith.constant 4 : index
    %get3A_17 = vector.load %arg27[%get3A_15, %get3A_16] : memref<1x8xf32, #tpu.memory_space<vmem>>, vector<1x1xf32>
    %get3A_18 = vector.extract %get3A_17[0, 0] : f32 from vector<1x1xf32>
    %get3A_19 = arith.constant 0 : index
    %get3A_20 = arith.constant 5 : index
    %get3A_21 = vector.load %arg27[%get3A_19, %get3A_20] : memref<1x8xf32, #tpu.memory_space<vmem>>, vector<1x1xf32>
    %get3A_22 = vector.extract %get3A_21[0, 0] : f32 from vector<1x1xf32>
    %get3A_23 = arith.constant 0 : index
    %get3A_24 = arith.constant 0 : index
    %get3A_25 = vector.load %arg1[%get3A_23, %get3A_24] : memref<16384x64xf32, #tpu.memory_space<vmem>>, vector<16384x64xf32>
    %reshape3A = vector.shape_cast %get3A_25 : vector<16384x64xf32> to vector<256x64x64xf32>
    %get3A_26 = arith.constant 0 : index
    %get3A_27 = arith.constant 0 : index
    %get3A_28 = vector.load %arg2[%get3A_26, %get3A_27] : memref<256x64xf32, #tpu.memory_space<vmem>>, vector<256x64xf32>
    %broadcast_in_dim3A = vector.shape_cast %get3A_28 : vector<256x64xf32> to vector<256x1x64xf32>
    %broadcast_in_dim3A_29 = vector.shape_cast %broadcast_in_dim3A : vector<256x1x64xf32> to vector<256x1x64xf32>
    %broadcast_in_dim3A_30 = vector.broadcast %broadcast_in_dim3A_29 : vector<256x1x64xf32> to vector<256x64x64xf32>
    %reshape3A_31 = vector.shape_cast %broadcast_in_dim3A_30 : vector<256x64x64xf32> to vector<16384x64xf32>
    %mul3A = arith.mulf %get3A_25, %reshape3A_31 : vector<16384x64xf32>
    %get3A_32 = arith.constant 0 : index
    %get3A_33 = arith.constant 0 : index
    %get3A_34 = vector.load %arg7[%get3A_32, %get3A_33] : memref<64x64xf32, #tpu.memory_space<vmem>>, vector<64x64xf32>
    %dot_general3A = arith.constant dense<0.000000e+00> : vector<256x64xf32>
    %dot_general3A_35 = tpu.matmul %get3A_28, %get3A_34, %dot_general3A {dimension_numbers = #tpu.dot_dimension_numbers<[1], [0], [0], [1], [0, 0, 1, 1], [], []>, transpose_lhs_hint = false} : vector<256x64xf32>, vector<64x64xf32>, vector<256x64xf32> -> vector<256x64xf32>
    %broadcast_in_dim3A_36 = vector.shape_cast %dot_general3A_35 : vector<256x64xf32> to vector<256x1x64xf32>
    %broadcast_in_dim3A_37 = vector.shape_cast %broadcast_in_dim3A_36 : vector<256x1x64xf32> to vector<256x1x64xf32>
    %broadcast_in_dim3A_38 = vector.broadcast %broadcast_in_dim3A_37 : vector<256x1x64xf32> to vector<256x64x64xf32>
    %reshape3A_39 = vector.shape_cast %broadcast_in_dim3A_38 : vector<256x64x64xf32> to vector<16384x64xf32>
    %concatenate3A = tpu.concatenate %get3A_25, %mul3A in 1 : vector<16384x64xf32>, vector<16384x64xf32> -> vector<16384x128xf32>
    %get3A_40 = arith.constant 0 : index
    %get3A_41 = arith.constant 0 : index
    %get3A_42 = vector.load %arg5[%get3A_40, %get3A_41] : memref<128x64xf32, #tpu.memory_space<vmem>>, vector<128x64xf32>
    %dot_general3A_43 = arith.constant dense<0.000000e+00> : vector<16384x64xf32>
    %dot_general3A_44 = tpu.matmul %concatenate3A, %get3A_42, %dot_general3A_43 {dimension_numbers = #tpu.dot_dimension_numbers<[1], [0], [0], [1], [0, 0, 1, 1], [], []>, transpose_lhs_hint = false} : vector<16384x128xf32>, vector<128x64xf32>, vector<16384x64xf32> -> vector<16384x64xf32>
    %add3A = arith.addf %dot_general3A_44, %reshape3A_39 : vector<16384x64xf32>
    %get3A_45 = arith.constant 0 : index
    %get3A_46 = arith.constant 0 : index
    %get3A_47 = vector.load %arg6[%get3A_45, %get3A_46] : memref<1x64xf32, #tpu.memory_space<vmem>>, vector<1x64xf32>
    %add3A_48 = vector.broadcast %get3A_47 : vector<1x64xf32> to vector<16384x64xf32>
    %add3A_49 = arith.addf %add3A, %add3A_48 : vector<16384x64xf32>
    %ge3A = arith.constant 0.000000e+00 : f32
    %ge3A_50 = vector.broadcast %ge3A : f32 to vector<16384x64xf32>
    %ge3A_51 = arith.cmpf oge, %add3A_49, %ge3A_50 : vector<16384x64xf32>
    %mul3A_52 = vector.broadcast %get3A_2 : f32 to vector<16384x64xf32>
    %mul3A_53 = arith.mulf %mul3A_52, %add3A_49 : vector<16384x64xf32>
    %select_n3A = arith.select %ge3A_51, %add3A_49, %mul3A_53 : vector<16384x64xi1>, vector<16384x64xf32>
    %get3A_54 = arith.constant 0 : index
    %get3A_55 = arith.constant 0 : index
    %get3A_56 = vector.load %arg8[%get3A_54, %get3A_55] : memref<64x32xf32, #tpu.memory_space<vmem>>, vector<64x32xf32>
    %dot_general3A_57 = arith.constant dense<0.000000e+00> : vector<16384x32xf32>
    %dot_general3A_58 = tpu.matmul %select_n3A, %get3A_56, %dot_general3A_57 {dimension_numbers = #tpu.dot_dimension_numbers<[1], [0], [0], [1], [0, 0, 1, 1], [], []>, transpose_lhs_hint = false} : vector<16384x64xf32>, vector<64x32xf32>, vector<16384x32xf32> -> vector<16384x32xf32>
    %get3A_59 = arith.constant 0 : index
    %get3A_60 = arith.constant 0 : index
    %get3A_61 = vector.load %arg9[%get3A_59, %get3A_60] : memref<1x32xf32, #tpu.memory_space<vmem>>, vector<1x32xf32>
    %add3A_62 = vector.broadcast %get3A_61 : vector<1x32xf32> to vector<16384x32xf32>
    %add3A_63 = arith.addf %dot_general3A_58, %add3A_62 : vector<16384x32xf32>
    %ge3A_64 = arith.constant 0.000000e+00 : f32
    %ge3A_65 = vector.broadcast %ge3A_64 : f32 to vector<16384x32xf32>
    %ge3A_66 = arith.cmpf oge, %add3A_63, %ge3A_65 : vector<16384x32xf32>
    %mul3A_67 = vector.broadcast %get3A_6 : f32 to vector<16384x32xf32>
    %mul3A_68 = arith.mulf %mul3A_67, %add3A_63 : vector<16384x32xf32>
    %select_n3A_69 = arith.select %ge3A_66, %add3A_63, %mul3A_68 : vector<16384x32xi1>, vector<16384x32xf32>
    %get3A_70 = arith.constant 0 : index
    %get3A_71 = arith.constant 0 : index
    %get3A_72 = vector.load %arg10[%get3A_70, %get3A_71] : memref<32x1xf32, #tpu.memory_space<vmem>>, vector<32x1xf32>
    %dot_general3A_73 = arith.constant dense<0.000000e+00> : vector<16384x1xf32>
    %dot_general3A_74 = tpu.matmul %select_n3A_69, %get3A_72, %dot_general3A_73 {dimension_numbers = #tpu.dot_dimension_numbers<[1], [0], [0], [1], [0, 0, 1, 1], [], []>, transpose_lhs_hint = false} : vector<16384x32xf32>, vector<32x1xf32>, vector<16384x1xf32> -> vector<16384x1xf32>
    %add3A_75 = vector.broadcast %get3A_22 : f32 to vector<16384x1xf32>
    %add3A_76 = arith.addf %dot_general3A_74, %add3A_75 : vector<16384x1xf32>
    %abs3A = math.absf %get3A_25 : vector<16384x64xf32>
    %reduce_sum3A = arith.constant dense<0.000000e+00> : vector<16384xf32>
    %reduce_sum3A_77 = vector.multi_reduction <add>, %abs3A, %reduce_sum3A [1] : vector<16384x64xf32> to vector<16384xf32>
    %broadcast_in_dim3A_78 = vector.shape_cast %reduce_sum3A_77 : vector<16384xf32> to vector<16384x1xf32>
    %gt3A = arith.constant 0.000000e+00 : f32
    %gt3A_79 = vector.broadcast %gt3A : f32 to vector<16384x1xf32>
    %gt3A_80 = arith.cmpf ogt, %broadcast_in_dim3A_78, %gt3A_79 : vector<16384x1xf32>
    %jit3A = arith.constant 1.000000e+00 : f32
    %jit3A_81 = arith.constant 0.000000e+00 : f32
    %broadcast_in_dim3A_82 = vector.broadcast %jit3A : f32 to vector<16384x1xf32>
    %broadcast_in_dim3A_83 = vector.broadcast %jit3A_81 : f32 to vector<16384x1xf32>
    %select_n3A_84 = arith.select %gt3A_80, %broadcast_in_dim3A_82, %broadcast_in_dim3A_83 : vector<16384x1xi1>, vector<16384x1xf32>
    %reshape3A_85 = vector.shape_cast %add3A_76 : vector<16384x1xf32> to vector<256x64x1xf32>
    %iota3A = tpu.iota {dimensions = array<i32: 1>} : vector<256x64x1xi32>
    %lt3A = arith.constant 50 : i32
    %lt3A_86 = vector.broadcast %lt3A : i32 to vector<256x64x1xi32>
    %lt3A_87 = arith.cmpi slt, %iota3A, %lt3A_86 : vector<256x64x1xi32>
    %jit3A_88 = arith.constant 1.000000e+00 : f32
    %jit3A_89 = arith.constant 0.000000e+00 : f32
    %broadcast_in_dim3A_90 = vector.broadcast %jit3A_88 : f32 to vector<256x64x1xf32>
    %broadcast_in_dim3A_91 = vector.broadcast %jit3A_89 : f32 to vector<256x64x1xf32>
    %select_n3A_92 = arith.select %lt3A_87, %broadcast_in_dim3A_90, %broadcast_in_dim3A_91 : vector<256x64x1xi1>, vector<256x64x1xf32>
    %reshape3A_93 = vector.shape_cast %select_n3A_84 : vector<16384x1xf32> to vector<256x64x1xf32>
    %mul3A_94 = arith.mulf %reshape3A_93, %select_n3A_92 : vector<256x64x1xf32>
    %reduce_max3A = arith.constant dense<0xFF800000> : vector<256x1xf32>
    %reduce_max3A_95 = vector.multi_reduction <maximumf>, %reshape3A_85, %reduce_max3A [1] : vector<256x64x1xf32> to vector<256x1xf32>
    %broadcast_in_dim3A_96 = vector.shape_cast %reduce_max3A_95 : vector<256x1xf32> to vector<256x1x1xf32>
    %sub3A = vector.broadcast %broadcast_in_dim3A_96 : vector<256x1x1xf32> to vector<256x64x1xf32>
    %sub3A_97 = arith.subf %reshape3A_85, %sub3A : vector<256x64x1xf32>
    %exp3A = math.exp %sub3A_97 : vector<256x64x1xf32>
    %mul3A_98 = arith.mulf %exp3A, %mul3A_94 : vector<256x64x1xf32>
    %reduce_sum3A_99 = arith.constant dense<0.000000e+00> : vector<256x1xf32>
    %reduce_sum3A_100 = vector.multi_reduction <add>, %mul3A_98, %reduce_sum3A_99 [1] : vector<256x64x1xf32> to vector<256x1xf32>
    %broadcast_in_dim3A_101 = vector.shape_cast %reduce_sum3A_100 : vector<256x1xf32> to vector<256x1x1xf32>
    %div3A = vector.broadcast %broadcast_in_dim3A_101 : vector<256x1x1xf32> to vector<256x64x1xf32>
    %div3A_102 = arith.divf %mul3A_98, %div3A : vector<256x64x1xf32>
    %mul3A_103 = vector.broadcast %div3A_102 : vector<256x64x1xf32> to vector<256x64x64xf32>
    %mul3A_104 = arith.mulf %mul3A_103, %reshape3A : vector<256x64x64xf32>
    %reduce_sum3A_105 = arith.constant dense<0.000000e+00> : vector<256x64xf32>
    %reduce_sum3A_106 = vector.multi_reduction <add>, %mul3A_104, %reduce_sum3A_105 [1] : vector<256x64x64xf32> to vector<256x64xf32>
    %get3A_107 = arith.constant 0 : index
    %get3A_108 = arith.constant 0 : index
    %get3A_109 = vector.load %arg4[%get3A_107, %get3A_108] : memref<256x8xf32, #tpu.memory_space<vmem>>, vector<256x8xf32>
    %get3A_110 = arith.constant 0 : index
    %get3A_111 = arith.constant 0 : index
    %get3A_112 = vector.load %arg11[%get3A_110, %get3A_111] : memref<8x32xf32, #tpu.memory_space<vmem>>, vector<8x32xf32>
    %dot_general3A_113 = arith.constant dense<0.000000e+00> : vector<256x32xf32>
    %dot_general3A_114 = tpu.matmul %get3A_109, %get3A_112, %dot_general3A_113 {dimension_numbers = #tpu.dot_dimension_numbers<[1], [0], [0], [1], [0, 0, 1, 1], [], []>, transpose_lhs_hint = false} : vector<256x8xf32>, vector<8x32xf32>, vector<256x32xf32> -> vector<256x32xf32>
    %get3A_115 = arith.constant 0 : index
    %get3A_116 = arith.constant 0 : index
    %get3A_117 = vector.load %arg12[%get3A_115, %get3A_116] : memref<1x32xf32, #tpu.memory_space<vmem>>, vector<1x32xf32>
    %add3A_118 = vector.broadcast %get3A_117 : vector<1x32xf32> to vector<256x32xf32>
    %add3A_119 = arith.addf %dot_general3A_114, %add3A_118 : vector<256x32xf32>
    %get3A_120 = arith.constant 0 : index
    %get3A_121 = arith.constant 0 : index
    %get3A_122 = vector.load %arg3[%get3A_120, %get3A_121] : memref<256x32xf32, #tpu.memory_space<vmem>>, vector<256x32xf32>
    %concatenate3A_123 = tpu.concatenate %reduce_sum3A_106, %get3A_28, %get3A_122, %add3A_119 in 1 : vector<256x64xf32>, vector<256x64xf32>, vector<256x32xf32>, vector<256x32xf32> -> vector<256x192xf32>
    %get3A_124 = arith.constant 0 : index
    %get3A_125 = arith.constant 0 : index
    %get3A_126 = vector.load %arg13[%get3A_124, %get3A_125] : memref<192x256xf32, #tpu.memory_space<vmem>>, vector<192x256xf32>
    %dot_general3A_127 = arith.constant dense<0.000000e+00> : vector<256x256xf32>
    %dot_general3A_128 = tpu.matmul %concatenate3A_123, %get3A_126, %dot_general3A_127 {dimension_numbers = #tpu.dot_dimension_numbers<[1], [0], [0], [1], [0, 0, 1, 1], [], []>, transpose_lhs_hint = false} : vector<256x192xf32>, vector<192x256xf32>, vector<256x256xf32> -> vector<256x256xf32>
    %get3A_129 = arith.constant 0 : index
    %get3A_130 = arith.constant 0 : index
    %get3A_131 = vector.load %arg14[%get3A_129, %get3A_130] : memref<1x256xf32, #tpu.memory_space<vmem>>, vector<1x256xf32>
    %add3A_132 = vector.broadcast %get3A_131 : vector<1x256xf32> to vector<256x256xf32>
    %add3A_133 = arith.addf %dot_general3A_128, %add3A_132 : vector<256x256xf32>
    %reduce_sum3A_134 = arith.constant dense<0.000000e+00> : vector<256xf32>
    %reduce_sum3A_135 = vector.multi_reduction <add>, %add3A_133, %reduce_sum3A_134 [1] : vector<256x256xf32> to vector<256xf32>
    %broadcast_in_dim3A_136 = vector.shape_cast %reduce_sum3A_135 : vector<256xf32> to vector<256x1xf32>
    %div3A_137 = arith.constant 2.560000e+02 : f32
    %div3A_138 = vector.broadcast %div3A_137 : f32 to vector<256x1xf32>
    %div3A_139 = arith.divf %broadcast_in_dim3A_136, %div3A_138 : vector<256x1xf32>
    %sub3A_140 = vector.broadcast %div3A_139 : vector<256x1xf32> to vector<256x256xf32>
    %sub3A_141 = arith.subf %add3A_133, %sub3A_140 : vector<256x256xf32>
    %sub3A_142 = vector.broadcast %div3A_139 : vector<256x1xf32> to vector<256x256xf32>
    %sub3A_143 = arith.subf %add3A_133, %sub3A_142 : vector<256x256xf32>
    %mul3A_144 = arith.mulf %sub3A_141, %sub3A_143 : vector<256x256xf32>
    %reduce_sum3A_145 = arith.constant dense<0.000000e+00> : vector<256xf32>
    %reduce_sum3A_146 = vector.multi_reduction <add>, %mul3A_144, %reduce_sum3A_145 [1] : vector<256x256xf32> to vector<256xf32>
    %broadcast_in_dim3A_147 = vector.shape_cast %reduce_sum3A_146 : vector<256xf32> to vector<256x1xf32>
    %div3A_148 = arith.constant 2.560000e+02 : f32
    %div3A_149 = vector.broadcast %div3A_148 : f32 to vector<256x1xf32>
    %div3A_150 = arith.divf %broadcast_in_dim3A_147, %div3A_149 : vector<256x1xf32>
    %sub3A_151 = vector.broadcast %div3A_139 : vector<256x1xf32> to vector<256x256xf32>
    %sub3A_152 = arith.subf %add3A_133, %sub3A_151 : vector<256x256xf32>
    %add3A_153 = arith.constant 9.99999974E-6 : f32
    %add3A_154 = vector.broadcast %add3A_153 : f32 to vector<256x1xf32>
    %add3A_155 = arith.addf %div3A_150, %add3A_154 : vector<256x1xf32>
    %rsqrt3A = math.rsqrt %add3A_155 : vector<256x1xf32>
    %mul3A_156 = vector.broadcast %rsqrt3A : vector<256x1xf32> to vector<256x256xf32>
    %mul3A_157 = arith.mulf %sub3A_152, %mul3A_156 : vector<256x256xf32>
    %get3A_158 = arith.constant 0 : index
    %get3A_159 = arith.constant 0 : index
    %get3A_160 = vector.load %arg15[%get3A_158, %get3A_159] : memref<1x256xf32, #tpu.memory_space<vmem>>, vector<1x256xf32>
    %mul3A_161 = vector.broadcast %get3A_160 : vector<1x256xf32> to vector<256x256xf32>
    %mul3A_162 = arith.mulf %mul3A_157, %mul3A_161 : vector<256x256xf32>
    %get3A_163 = arith.constant 0 : index
    %get3A_164 = arith.constant 0 : index
    %get3A_165 = vector.load %arg16[%get3A_163, %get3A_164] : memref<1x256xf32, #tpu.memory_space<vmem>>, vector<1x256xf32>
    %add3A_166 = vector.broadcast %get3A_165 : vector<1x256xf32> to vector<256x256xf32>
    %add3A_167 = arith.addf %mul3A_162, %add3A_166 : vector<256x256xf32>
    %ge3A_168 = arith.constant 0.000000e+00 : f32
    %ge3A_169 = vector.broadcast %ge3A_168 : f32 to vector<256x256xf32>
    %ge3A_170 = arith.cmpf oge, %add3A_167, %ge3A_169 : vector<256x256xf32>
    %mul3A_171 = vector.broadcast %get3A_10 : f32 to vector<256x256xf32>
    %mul3A_172 = arith.mulf %mul3A_171, %add3A_167 : vector<256x256xf32>
    %select_n3A_173 = arith.select %ge3A_170, %add3A_167, %mul3A_172 : vector<256x256xi1>, vector<256x256xf32>
    %get3A_174 = arith.constant 0 : index
    %get3A_175 = arith.constant 0 : index
    %get3A_176 = vector.load %arg17[%get3A_174, %get3A_175] : memref<256x128xf32, #tpu.memory_space<vmem>>, vector<256x128xf32>
    %dot_general3A_177 = arith.constant dense<0.000000e+00> : vector<256x128xf32>
    %dot_general3A_178 = tpu.matmul %select_n3A_173, %get3A_176, %dot_general3A_177 {dimension_numbers = #tpu.dot_dimension_numbers<[1], [0], [0], [1], [0, 0, 1, 1], [], []>, transpose_lhs_hint = false} : vector<256x256xf32>, vector<256x128xf32>, vector<256x128xf32> -> vector<256x128xf32>
    %get3A_179 = arith.constant 0 : index
    %get3A_180 = arith.constant 0 : index
    %get3A_181 = vector.load %arg18[%get3A_179, %get3A_180] : memref<1x128xf32, #tpu.memory_space<vmem>>, vector<1x128xf32>
    %add3A_182 = vector.broadcast %get3A_181 : vector<1x128xf32> to vector<256x128xf32>
    %add3A_183 = arith.addf %dot_general3A_178, %add3A_182 : vector<256x128xf32>
    %reduce_sum3A_184 = arith.constant dense<0.000000e+00> : vector<256xf32>
    %reduce_sum3A_185 = vector.multi_reduction <add>, %add3A_183, %reduce_sum3A_184 [1] : vector<256x128xf32> to vector<256xf32>
    %broadcast_in_dim3A_186 = vector.shape_cast %reduce_sum3A_185 : vector<256xf32> to vector<256x1xf32>
    %div3A_187 = arith.constant 1.280000e+02 : f32
    %div3A_188 = vector.broadcast %div3A_187 : f32 to vector<256x1xf32>
    %div3A_189 = arith.divf %broadcast_in_dim3A_186, %div3A_188 : vector<256x1xf32>
    %sub3A_190 = vector.broadcast %div3A_189 : vector<256x1xf32> to vector<256x128xf32>
    %sub3A_191 = arith.subf %add3A_183, %sub3A_190 : vector<256x128xf32>
    %sub3A_192 = vector.broadcast %div3A_189 : vector<256x1xf32> to vector<256x128xf32>
    %sub3A_193 = arith.subf %add3A_183, %sub3A_192 : vector<256x128xf32>
    %mul3A_194 = arith.mulf %sub3A_191, %sub3A_193 : vector<256x128xf32>
    %reduce_sum3A_195 = arith.constant dense<0.000000e+00> : vector<256xf32>
    %reduce_sum3A_196 = vector.multi_reduction <add>, %mul3A_194, %reduce_sum3A_195 [1] : vector<256x128xf32> to vector<256xf32>
    %broadcast_in_dim3A_197 = vector.shape_cast %reduce_sum3A_196 : vector<256xf32> to vector<256x1xf32>
    %div3A_198 = arith.constant 1.280000e+02 : f32
    %div3A_199 = vector.broadcast %div3A_198 : f32 to vector<256x1xf32>
    %div3A_200 = arith.divf %broadcast_in_dim3A_197, %div3A_199 : vector<256x1xf32>
    %sub3A_201 = vector.broadcast %div3A_189 : vector<256x1xf32> to vector<256x128xf32>
    %sub3A_202 = arith.subf %add3A_183, %sub3A_201 : vector<256x128xf32>
    %add3A_203 = arith.constant 9.99999974E-6 : f32
    %add3A_204 = vector.broadcast %add3A_203 : f32 to vector<256x1xf32>
    %add3A_205 = arith.addf %div3A_200, %add3A_204 : vector<256x1xf32>
    %rsqrt3A_206 = math.rsqrt %add3A_205 : vector<256x1xf32>
    %mul3A_207 = vector.broadcast %rsqrt3A_206 : vector<256x1xf32> to vector<256x128xf32>
    %mul3A_208 = arith.mulf %sub3A_202, %mul3A_207 : vector<256x128xf32>
    %get3A_209 = arith.constant 0 : index
    %get3A_210 = arith.constant 0 : index
    %get3A_211 = vector.load %arg19[%get3A_209, %get3A_210] : memref<1x128xf32, #tpu.memory_space<vmem>>, vector<1x128xf32>
    %mul3A_212 = vector.broadcast %get3A_211 : vector<1x128xf32> to vector<256x128xf32>
    %mul3A_213 = arith.mulf %mul3A_208, %mul3A_212 : vector<256x128xf32>
    %get3A_214 = arith.constant 0 : index
    %get3A_215 = arith.constant 0 : index
    %get3A_216 = vector.load %arg20[%get3A_214, %get3A_215] : memref<1x128xf32, #tpu.memory_space<vmem>>, vector<1x128xf32>
    %add3A_217 = vector.broadcast %get3A_216 : vector<1x128xf32> to vector<256x128xf32>
    %add3A_218 = arith.addf %mul3A_213, %add3A_217 : vector<256x128xf32>
    %ge3A_219 = arith.constant 0.000000e+00 : f32
    %ge3A_220 = vector.broadcast %ge3A_219 : f32 to vector<256x128xf32>
    %ge3A_221 = arith.cmpf oge, %add3A_218, %ge3A_220 : vector<256x128xf32>
    %mul3A_222 = vector.broadcast %get3A_14 : f32 to vector<256x128xf32>
    %mul3A_223 = arith.mulf %mul3A_222, %add3A_218 : vector<256x128xf32>
    %select_n3A_224 = arith.select %ge3A_221, %add3A_218, %mul3A_223 : vector<256x128xi1>, vector<256x128xf32>
    %get3A_225 = arith.constant 0 : index
    %get3A_226 = arith.constant 0 : index
    %get3A_227 = vector.load %arg21[%get3A_225, %get3A_226] : memref<128x64xf32, #tpu.memory_space<vmem>>, vector<128x64xf32>
    %dot_general3A_228 = arith.constant dense<0.000000e+00> : vector<256x64xf32>
    %dot_general3A_229 = tpu.matmul %select_n3A_224, %get3A_227, %dot_general3A_228 {dimension_numbers = #tpu.dot_dimension_numbers<[1], [0], [0], [1], [0, 0, 1, 1], [], []>, transpose_lhs_hint = false} : vector<256x128xf32>, vector<128x64xf32>, vector<256x64xf32> -> vector<256x64xf32>
    %get3A_230 = arith.constant 0 : index
    %get3A_231 = arith.constant 0 : index
    %get3A_232 = vector.load %arg22[%get3A_230, %get3A_231] : memref<1x64xf32, #tpu.memory_space<vmem>>, vector<1x64xf32>
    %add3A_233 = vector.broadcast %get3A_232 : vector<1x64xf32> to vector<256x64xf32>
    %add3A_234 = arith.addf %dot_general3A_229, %add3A_233 : vector<256x64xf32>
    %reduce_sum3A_235 = arith.constant dense<0.000000e+00> : vector<256xf32>
    %reduce_sum3A_236 = vector.multi_reduction <add>, %add3A_234, %reduce_sum3A_235 [1] : vector<256x64xf32> to vector<256xf32>
    %broadcast_in_dim3A_237 = vector.shape_cast %reduce_sum3A_236 : vector<256xf32> to vector<256x1xf32>
    %div3A_238 = arith.constant 6.400000e+01 : f32
    %div3A_239 = vector.broadcast %div3A_238 : f32 to vector<256x1xf32>
    %div3A_240 = arith.divf %broadcast_in_dim3A_237, %div3A_239 : vector<256x1xf32>
    %sub3A_241 = vector.broadcast %div3A_240 : vector<256x1xf32> to vector<256x64xf32>
    %sub3A_242 = arith.subf %add3A_234, %sub3A_241 : vector<256x64xf32>
    %sub3A_243 = vector.broadcast %div3A_240 : vector<256x1xf32> to vector<256x64xf32>
    %sub3A_244 = arith.subf %add3A_234, %sub3A_243 : vector<256x64xf32>
    %mul3A_245 = arith.mulf %sub3A_242, %sub3A_244 : vector<256x64xf32>
    %reduce_sum3A_246 = arith.constant dense<0.000000e+00> : vector<256xf32>
    %reduce_sum3A_247 = vector.multi_reduction <add>, %mul3A_245, %reduce_sum3A_246 [1] : vector<256x64xf32> to vector<256xf32>
    %broadcast_in_dim3A_248 = vector.shape_cast %reduce_sum3A_247 : vector<256xf32> to vector<256x1xf32>
    %div3A_249 = arith.constant 6.400000e+01 : f32
    %div3A_250 = vector.broadcast %div3A_249 : f32 to vector<256x1xf32>
    %div3A_251 = arith.divf %broadcast_in_dim3A_248, %div3A_250 : vector<256x1xf32>
    %sub3A_252 = vector.broadcast %div3A_240 : vector<256x1xf32> to vector<256x64xf32>
    %sub3A_253 = arith.subf %add3A_234, %sub3A_252 : vector<256x64xf32>
    %add3A_254 = arith.constant 9.99999974E-6 : f32
    %add3A_255 = vector.broadcast %add3A_254 : f32 to vector<256x1xf32>
    %add3A_256 = arith.addf %div3A_251, %add3A_255 : vector<256x1xf32>
    %rsqrt3A_257 = math.rsqrt %add3A_256 : vector<256x1xf32>
    %mul3A_258 = vector.broadcast %rsqrt3A_257 : vector<256x1xf32> to vector<256x64xf32>
    %mul3A_259 = arith.mulf %sub3A_253, %mul3A_258 : vector<256x64xf32>
    %get3A_260 = arith.constant 0 : index
    %get3A_261 = arith.constant 0 : index
    %get3A_262 = vector.load %arg23[%get3A_260, %get3A_261] : memref<1x64xf32, #tpu.memory_space<vmem>>, vector<1x64xf32>
    %mul3A_263 = vector.broadcast %get3A_262 : vector<1x64xf32> to vector<256x64xf32>
    %mul3A_264 = arith.mulf %mul3A_259, %mul3A_263 : vector<256x64xf32>
    %get3A_265 = arith.constant 0 : index
    %get3A_266 = arith.constant 0 : index
    %get3A_267 = vector.load %arg24[%get3A_265, %get3A_266] : memref<1x64xf32, #tpu.memory_space<vmem>>, vector<1x64xf32>
    %add3A_268 = vector.broadcast %get3A_267 : vector<1x64xf32> to vector<256x64xf32>
    %add3A_269 = arith.addf %mul3A_264, %add3A_268 : vector<256x64xf32>
    %ge3A_270 = arith.constant 0.000000e+00 : f32
    %ge3A_271 = vector.broadcast %ge3A_270 : f32 to vector<256x64xf32>
    %ge3A_272 = arith.cmpf oge, %add3A_269, %ge3A_271 : vector<256x64xf32>
    %mul3A_273 = vector.broadcast %get3A_18 : f32 to vector<256x64xf32>
    %mul3A_274 = arith.mulf %mul3A_273, %add3A_269 : vector<256x64xf32>
    %select_n3A_275 = arith.select %ge3A_272, %add3A_269, %mul3A_274 : vector<256x64xi1>, vector<256x64xf32>
    %get3A_276 = arith.constant 0 : index
    %get3A_277 = arith.constant 0 : index
    %get3A_278 = vector.load %arg25[%get3A_276, %get3A_277] : memref<64x8xf32, #tpu.memory_space<vmem>>, vector<64x8xf32>
    %dot_general3A_279 = arith.constant dense<0.000000e+00> : vector<256x8xf32>
    %dot_general3A_280 = tpu.matmul %select_n3A_275, %get3A_278, %dot_general3A_279 {dimension_numbers = #tpu.dot_dimension_numbers<[1], [0], [0], [1], [0, 0, 1, 1], [], []>, transpose_lhs_hint = false} : vector<256x64xf32>, vector<64x8xf32>, vector<256x8xf32> -> vector<256x8xf32>
    %get3A_281 = arith.constant 0 : index
    %get3A_282 = arith.constant 0 : index
    %get3A_283 = vector.load %arg26[%get3A_281, %get3A_282] : memref<1x8xf32, #tpu.memory_space<vmem>>, vector<1x8xf32>
    %add3A_284 = vector.broadcast %get3A_283 : vector<1x8xf32> to vector<256x8xf32>
    %add3A_285 = arith.addf %dot_general3A_280, %add3A_284 : vector<256x8xf32>
    %neg3A = arith.constant 0.000000e+00 : f32
    %neg3A_286 = vector.broadcast %neg3A : f32 to vector<256x8xf32>
    %neg3A_287 = arith.subf %neg3A_286, %add3A_285 : vector<256x8xf32>
    %exp3A_288 = math.exp %neg3A_287 : vector<256x8xf32>
    %add3A_289 = arith.constant 1.000000e+00 : f32
    %add3A_290 = vector.broadcast %add3A_289 : f32 to vector<256x8xf32>
    %add3A_291 = arith.addf %add3A_290, %exp3A_288 : vector<256x8xf32>
    %div3A_292 = arith.constant 1.000000e+00 : f32
    %div3A_293 = vector.broadcast %div3A_292 : f32 to vector<256x8xf32>
    %div3A_294 = arith.divf %div3A_293, %add3A_291 : vector<256x8xf32>
    %swap3A = arith.constant 0 : index
    %swap3A_295 = arith.constant 0 : index
    %swap3A_296 = vector.load %arg28[%swap3A, %swap3A_295] : memref<256x8xf32, #tpu.memory_space<vmem>>, vector<256x8xf32>
    tpu.vector_store %arg28[%swap3A, %swap3A_295], %div3A_294 {strides = array<i32>} : memref<256x8xf32, #tpu.memory_space<vmem>>, vector<256x8xf32>,
    return
  }
  func.func @transform_0(%arg0: i32) -> (i32, i32) {
    %c0_i32 = arith.constant 0 : i32
    %c0_i32_0 = arith.constant 0 : i32
    return %arg0, %c0_i32 : i32, i32
  }
  func.func @transform_1(%arg0: i32) -> (i32, i32) {
    %c0_i32 = arith.constant 0 : i32
    %c0_i32_0 = arith.constant 0 : i32
    return %arg0, %c0_i32 : i32, i32
  }
  func.func @transform_2(%arg0: i32) -> (i32, i32) {
    %c0_i32 = arith.constant 0 : i32
    %c0_i32_0 = arith.constant 0 : i32
    return %arg0, %c0_i32 : i32, i32
  }
  func.func @transform_3(%arg0: i32) -> (i32, i32) {
    %c0_i32 = arith.constant 0 : i32
    %c0_i32_0 = arith.constant 0 : i32
    return %arg0, %c0_i32 : i32, i32
  }
  func.func @transform_4(%arg0: i32) -> (i32, i32) {
    %c0_i32 = arith.constant 0 : i32
    %c0_i32_0 = arith.constant 0 : i32
    %c0_i32_1 = arith.constant 0 : i32
    return %c0_i32, %c0_i32_0 : i32, i32
  }
  func.func @transform_5(%arg0: i32) -> (i32, i32) {
    %c0_i32 = arith.constant 0 : i32
    %c0_i32_0 = arith.constant 0 : i32
    %c0_i32_1 = arith.constant 0 : i32
    return %c0_i32, %c0_i32_0 : i32, i32
  }
  func.func @transform_6(%arg0: i32) -> (i32, i32) {
    %c0_i32 = arith.constant 0 : i32
    %c0_i32_0 = arith.constant 0 : i32
    %c0_i32_1 = arith.constant 0 : i32
    return %c0_i32, %c0_i32_0 : i32, i32
  }
  func.func @transform_7(%arg0: i32) -> (i32, i32) {
    %c0_i32 = arith.constant 0 : i32
    %c0_i32_0 = arith.constant 0 : i32
    %c0_i32_1 = arith.constant 0 : i32
    return %c0_i32, %c0_i32_0 : i32, i32
  }
  func.func @transform_8(%arg0: i32) -> (i32, i32) {
    %c0_i32 = arith.constant 0 : i32
    %c0_i32_0 = arith.constant 0 : i32
    %c0_i32_1 = arith.constant 0 : i32
    return %c0_i32, %c0_i32_0 : i32, i32
  }
  func.func @transform_9(%arg0: i32) -> (i32, i32) {
    %c0_i32 = arith.constant 0 : i32
    %c0_i32_0 = arith.constant 0 : i32
    %c0_i32_1 = arith.constant 0 : i32
    return %c0_i32, %c0_i32_0 : i32, i32
  }
  func.func @transform_10(%arg0: i32) -> (i32, i32) {
    %c0_i32 = arith.constant 0 : i32
    %c0_i32_0 = arith.constant 0 : i32
    %c0_i32_1 = arith.constant 0 : i32
    return %c0_i32, %c0_i32_0 : i32, i32
  }
  func.func @transform_11(%arg0: i32) -> (i32, i32) {
    %c0_i32 = arith.constant 0 : i32
    %c0_i32_0 = arith.constant 0 : i32
    %c0_i32_1 = arith.constant 0 : i32
    return %c0_i32, %c0_i32_0 : i32, i32
  }
  func.func @transform_12(%arg0: i32) -> (i32, i32) {
    %c0_i32 = arith.constant 0 : i32
    %c0_i32_0 = arith.constant 0 : i32
    %c0_i32_1 = arith.constant 0 : i32
    return %c0_i32, %c0_i32_0 : i32, i32
  }
  func.func @transform_13(%arg0: i32) -> (i32, i32) {
    %c0_i32 = arith.constant 0 : i32
    %c0_i32_0 = arith.constant 0 : i32
    %c0_i32_1 = arith.constant 0 : i32
    return %c0_i32, %c0_i32_0 : i32, i32
  }
  func.func @transform_14(%arg0: i32) -> (i32, i32) {
    %c0_i32 = arith.constant 0 : i32
    %c0_i32_0 = arith.constant 0 : i32
    %c0_i32_1 = arith.constant 0 : i32
    return %c0_i32, %c0_i32_0 : i32, i32
  }
  func.func @transform_15(%arg0: i32) -> (i32, i32) {
    %c0_i32 = arith.constant 0 : i32
    %c0_i32_0 = arith.constant 0 : i32
    %c0_i32_1 = arith.constant 0 : i32
    return %c0_i32, %c0_i32_0 : i32, i32
  }
  func.func @transform_16(%arg0: i32) -> (i32, i32) {
    %c0_i32 = arith.constant 0 : i32
    %c0_i32_0 = arith.constant 0 : i32
    %c0_i32_1 = arith.constant 0 : i32
    return %c0_i32, %c0_i32_0 : i32, i32
  }
  func.func @transform_17(%arg0: i32) -> (i32, i32) {
    %c0_i32 = arith.constant 0 : i32
    %c0_i32_0 = arith.constant 0 : i32
    %c0_i32_1 = arith.constant 0 : i32
    return %c0_i32, %c0_i32_0 : i32, i32
  }
  func.func @transform_18(%arg0: i32) -> (i32, i32) {
    %c0_i32 = arith.constant 0 : i32
    %c0_i32_0 = arith.constant 0 : i32
    %c0_i32_1 = arith.constant 0 : i32
    return %c0_i32, %c0_i32_0 : i32, i32
  }
  func.func @transform_19(%arg0: i32) -> (i32, i32) {
    %c0_i32 = arith.constant 0 : i32
    %c0_i32_0 = arith.constant 0 : i32
    %c0_i32_1 = arith.constant 0 : i32
    return %c0_i32, %c0_i32_0 : i32, i32
  }
  func.func @transform_20(%arg0: i32) -> (i32, i32) {
    %c0_i32 = arith.constant 0 : i32
    %c0_i32_0 = arith.constant 0 : i32
    %c0_i32_1 = arith.constant 0 : i32
    return %c0_i32, %c0_i32_0 : i32, i32
  }
  func.func @transform_21(%arg0: i32) -> (i32, i32) {
    %c0_i32 = arith.constant 0 : i32
    %c0_i32_0 = arith.constant 0 : i32
    %c0_i32_1 = arith.constant 0 : i32
    return %c0_i32, %c0_i32_0 : i32, i32
  }
  func.func @transform_22(%arg0: i32) -> (i32, i32) {
    %c0_i32 = arith.constant 0 : i32
    %c0_i32_0 = arith.constant 0 : i32
    %c0_i32_1 = arith.constant 0 : i32
    return %c0_i32, %c0_i32_0 : i32, i32
  }
  func.func @transform_23(%arg0: i32) -> (i32, i32) {
    %c0_i32 = arith.constant 0 : i32
    %c0_i32_0 = arith.constant 0 : i32
    %c0_i32_1 = arith.constant 0 : i32
    return %c0_i32, %c0_i32_0 : i32, i32
  }
  func.func @transform_24(%arg0: i32) -> (i32, i32) {
    %c0_i32 = arith.constant 0 : i32
    %c0_i32_0 = arith.constant 0 : i32
    %c0_i32_1 = arith.constant 0 : i32
    return %c0_i32, %c0_i32_0 : i32, i32
  }
  func.func @transform_25(%arg0: i32) -> (i32, i32) {
    %c0_i32 = arith.constant 0 : i32
    %c0_i32_0 = arith.constant 0 : i32
    %c0_i32_1 = arith.constant 0 : i32
    return %c0_i32, %c0_i32_0 : i32, i32
  }
  func.func @transform_26(%arg0: i32) -> (i32, i32) {
    %c0_i32 = arith.constant 0 : i32
    %c0_i32_0 = arith.constant 0 : i32
    %c0_i32_1 = arith.constant 0 : i32
    return %c0_i32, %c0_i32_0 : i32, i32
  }
  func.func @transform_27(%arg0: i32) -> (i32, i32) {
    %c0_i32 = arith.constant 0 : i32
    %c0_i32_0 = arith.constant 0 : i32
    return %arg0, %c0_i32 : i32, i32
  }
}

</mosaic_0001>

<sc_bundles>
// kernel: kernel.4.cloned.1.call-start
scs
__scs_entry_jumppad:
0x0: {  	(pc) =	sbr.rel $0x88, $3  }
0x1: {  	(tag) =	ssettag $0x0;
	lr =	simm.s32 $0x1  }
0x2: {  	[smem:$0x3F7C] =	sst lr;
	_ =	strace $0xD0000000  }
0x3: {  	_ = 	snop  }
0x4: {  	_ = 	snop  }
0x5: {  	_ = 	snop  }
0x6: {  	_ = 	snop  }
0x7: {  	_ = 	snop  }
__scs_overlays_trampoline_lowered:
0x8: {  	[smem:$0x3F8B] =	sst s0  }
0x9: {  	[smem:$0x3F8C] =	sst s1  }
0xa: {  	[smem:$0x3F8D] =	sst s2  }
0xb: {  	[smem:$0x3F8E] =	sst s3  }
0xc: {  	[smem:$0x3F8F] =	sst s4  }
0xd: {  	[smem:$0x3F90] =	sst s5  }
0xe: {  	[smem:$0x3F91] =	sst s6  }
0xf: {  	[smem:$0x3F92] =	sst s7  }
0x10: {  	[smem:$0x3F93] =	sst s8  }
0x11: {  	[smem:$0x3F94] =	sst s9;
	s0 =	simm.s32 @!p0 $0x0  }
0x12: {  	s1 =	sld [smem:$0x3F7A];
	s0 =	simm.s32 @p0 $0x1  }
0x13: {  	[smem:$0x3F95] =	sst s0;
	s0 =	simm.s32 @!p1 $0x0  }
0x14: {  	s2 =	sld [smem:$0x3F79];
	s0 =	simm.s32 @p1 $0x1  }
0x15: {  	[smem:$0x3F96] =	sst s0;
	s0 =	simm.s32 @!p2 $0x0  }
0x16: {  	s3 =	sld [smem:$0x3FDB];
	s0 =	simm.s32 @p2 $0x1  }
0x17: {  	s4 =	simm.s32 $0x1BF5;
	[smem:$0x3F98] =	sst s0  }
0x18: {  	s0 =	sld [smem:$0x3F7B];
	_ =	swait.ge [sflag:s4], $0x0  }
0x19: {  	s7 =	sld [smem:$0x3F7C]  }
0x1a: {  	s8 =	sadd.s32 $0xFFFFE003, lr  }
0x1b: {  	s9 =	sadd.s32 $0xFFFFFEF7, lr;
	s5 =	simm.s32 $0xFFFFFFFF;
	p2 =	slt.u32 s8, $0xFFFFF086  }
0x1c: {  	p1 =	slt.u32 s9, $0xF7A;
	s5 =	simm.s32 @!p2 $0x0  }
0x1d: {  	s5 =	simm.s32 @p1 $0x1;
	p0 =	seq.s32 s7, s2  }
0x1e: {  	s7 =	smul.u32 @!p0 $0xF7A, s2;
	p2 =	seq.s32 @!p0 s5, $0x0  }
0x1f: {  	s9 =	smul.u32 $0xF7A, s1;
	s8 =	simm.s32 @!p0 $0x1BF5;
	p2 =	por !p2, p0  }
0x20: {  	[sflag:s8] =	ssyncset.s32 @!p0 $0xFFFFF086;
	s6 =	sadd.s32 @!p0 s3, s7;
	s7 =	simm.s32 @!p0 $0x108  }
0x21: {  	s3 =	sadd.s32 s3, s9;
	s6 =	sadd.s32 @!p0 $0x88, s6;
	s7 =	simm.s32 @p2 $0x1082  }
0x22: {  	[simem:s7], [sflag:s8] =	dma.local @!p0 [hbm:s6], $0xF7A  }
0x23: {  	s9 =	sor.u32 $0xD0000000, s2;
	s6 =	simm.s32 $0x108;
	_ =	swait.ge @!p0 [sflag:s8], $0x0  }
0x24: {  	s3 =	sadd.s32 $0x88, s3;
	s6 =	simm.s32 @!p1 $0x1082;
	[sflag:s4] =	ssyncset.s32 $0xFFFFF086  }
0x25: {  	[simem:s6], [sflag:s4] =	dma.local [hbm:s3], $0xF7A  }
0x26: {  	[smem:$0x3F7C] =	sst s1;
	(tag) =	ssettag s2;
	_ =	strace s9  }
0x27: {  	s1 =	sld [smem:$0x3F8C]  }
0x28: {  	s2 =	sld [smem:$0x3F8D]  }
0x29: {  	s4 =	sld [smem:$0x3F8F]  }
0x2a: {  	p0 =	seq.s32 s5, $0x0;
	s5 =	sld [smem:$0x3F90]  }
0x2b: {  	s6 =	sld [smem:$0x3F91]  }
0x2c: {  	s7 =	sld [smem:$0x3F92]  }
0x2d: {  	s3 =	simm.s32 $0x108;
	s8 =	sld [smem:$0x3F93]  }
0x2e: {  	s3 =	simm.s32 @!p0 $0x1082;
	s9 =	sld [smem:$0x3F94]  }
0x2f: {  	lr =	sadd.s32 s0, s3;
	s0 =	sld [smem:$0x3F8B]  }
0x30: {  	s3 =	sld [smem:$0x3F8E]  }
0x31: {  	[smem:$0x3F97] =	sst s10  }
0x32: {  	s10 =	sld [smem:$0x3F95];
	_ =	sdelay $0x3  }
0x33: {  	p0 =	seq.s32 s10, $0x1;
	s10 =	sld [smem:$0x3F97];
	_ =	sdelay $0x3  }
0x34: {  	[smem:$0x3F97] =	sst s10  }
0x35: {  	s10 =	sld [smem:$0x3F96];
	_ =	sdelay $0x3  }
0x36: {  	p1 =	seq.s32 s10, $0x1;
	s10 =	sld [smem:$0x3F97];
	_ =	sdelay $0x3  }
0x37: {  	[smem:$0x3F97] =	sst s10  }
0x38: {  	s10 =	sld [smem:$0x3F98]  }
0x39: {  	_ = 	snop;
	(pc) =	sbr.ind lr, $3  }
0x3a: {  	_ = 	snop  }
0x3b: {  	_ = 	snop  }
0x3c: {  	p2 =	seq.s32 s10, $0x1;
	s10 =	sld [smem:$0x3F97]  }
0x3d: {  	_ =	shalt  }
0x3e: {  	_ =	shalt  }
0x3f: {  	_ =	shalt  }
0x40: {  	_ =	shalt  }
0x41: {  	_ =	shalt  }
0x42: {  	_ =	shalt  }
0x43: {  	_ =	shalt  }
0x44: {  	_ =	shalt  }
0x45: {  	_ =	shalt  }
0x46: {  	_ =	shalt  }
0x47: {  	_ =	shalt  }
0x48: {  	_ =	shalt  }
0x49: {  	_ =	shalt  }
0x4a: {  	_ =	shalt  }
0x4b: {  	_ =	shalt  }
0x4c: {  	_ =	shalt  }
0x4d: {  	_ =	shalt  }
0x4e: {  	_ =	shalt  }
0x4f: {  	_ =	shalt  }
0x50: {  	_ =	shalt  }
0x51: {  	_ =	shalt  }
0x52: {  	_ =	shalt  }
0x53: {  	_ =	shalt  }
0x54: {  	_ =	shalt  }
0x55: {  	_ =	shalt  }
0x56: {  	_ =	shalt  }
0x57: {  	_ =	shalt  }
0x58: {  	_ =	shalt  }
0x59: {  	_ =	shalt  }
0x5a: {  	_ =	shalt  }
0x5b: {  	_ =	shalt  }
0x5c: {  	_ =	shalt  }
0x5d: {  	_ =	shalt  }
0x5e: {  	_ =	shalt  }
0x5f: {  	_ =	shalt  }
0x60: {  	_ =	shalt  }
0x61: {  	_ =	shalt  }
0x62: {  	_ =	shalt  }
0x63: {  	_ =	shalt  }
0x64: {  	_ =	shalt  }
0x65: {  	_ =	shalt  }
0x66: {  	_ =	shalt  }
0x67: {  	_ =	shalt  }
0x68: {  	_ =	shalt  }
0x69: {  	_ =	shalt  }
0x6a: {  	_ =	shalt  }
0x6b: {  	_ =	shalt  }
0x6c: {  	_ =	shalt  }
0x6d: {  	_ =	shalt  }
0x6e: {  	_ =	shalt  }
0x6f: {  	_ =	shalt  }
0x70: {  	_ =	shalt  }
0x71: {  	_ =	shalt  }
0x72: {  	_ =	shalt  }
0x73: {  	_ =	shalt  }
0x74: {  	_ =	shalt  }
0x75: {  	_ =	shalt  }
0x76: {  	_ =	shalt  }
0x77: {  	_ =	shalt  }
0x78: {  	_ =	shalt  }
0x79: {  	_ =	shalt  }
0x7a: {  	_ =	shalt  }
0x7b: {  	_ =	shalt  }
0x7c: {  	_ =	shalt  }
0x7d: {  	_ =	shalt  }
0x7e: {  	_ =	shalt  }
0x7f: {  	_ =	shalt  }
0x80: {  	_ =	shalt  }
0x81: {  	_ =	shalt  }
0x82: {  	_ =	shalt  }
0x83: {  	_ =	shalt  }
0x84: {  	_ =	shalt  }
0x85: {  	_ =	shalt  }
0x86: {  	_ =	shalt  }
0x87: {  	_ =	shalt  }
.Lfunc_end0:
.L_simem_size_0:
called_computation_lowered:
.L_overlay_start_0:
0x88: {  	s2 =	sld [smem:$0x3FD9]  }
0x89: {  	s3 =	sld [smem:$0x3FFE];
	_ =	sdelay $0x1  }
0x8a: {  	s1 =	srdreg.scid  }
0x8b: {  	s0 =	sand.u32 $0x1, s1  }
0x8c: {  	s17 =	sshll.u32 s0, $0xA;
	s2 =	sadd.s32 s3, s2  }
0x8d: {  	s2 =	sadd.s32 s2, s17  }
0x8e: {  	[smem:$0x3FA3] =	sst s2  }
0x8f: {  	_ = 	snop  }
0x90: {  	s2 =	sld [smem:$0x3FC8]  }
0x91: {  	s18 =	sld [smem:$0x3FC7];
	(tm) =	ssettm $0x1  }
0x92: {  	s4 =	sld [smem:$0x3FFB];
	_ =	sdelay $0x3  }
0x93: {  	_ =	strace s4  }
0x94: {  	s4 =	sld [smem:$0x3FFC];
	_ =	sdelay $0x3  }
0x95: {  	_ =	strace s4  }
0x96: {  	s4 =	sld [smem:$0x3FFD];
	_ =	sdelay $0x3  }
0x97: {  	_ =	strace s4  }
0x98: {  	_ =	strace $0x8FFFFFFF  }
0x99: {  	s19 =	sld [smem:$0x3FDB];
	_ =	sdelay $0x1  }
0x9a: {  	s5 =	simm.s32 $_scs_section_size  }
0x9b: {  	s6 =	simm.s32 $_size__tile_overlayer_lowered;
	s7 =	simm.s32 $_tile_overlayer_lowered  }
0x9c: {  	s22 =	simm.s32 $0x1BFF;
	s21 =	sshll.u32 s7, $0x1;
	s4 =	sadd.s32 s5, s19  }
0x9d: {  	s8 =	simm.s32 $0x0;
	s20 =	sshll.u32 s6, $0x1;
	s6 =	sadd.s32 s21, s4  }
0x9e: {  	[timem:s8], [sflag:s22] =	dma.local [hbm:s6], s20  }
0x9f: {  	_ =	swait.ge [sflag:s22], s20  }
0xa0: {  	s5 =	ssub.s32 $0x0, s20;
	[sflag:s22] =	ssyncset.done $0x0  }
0xa1: {  	[sflag:s22] =	ssyncadd.s32 s5;
	_ =	sdelay $0x1  }
0xa2: {  	s23 =	simm.s32 $0x1B8B  }
0xa3: {  	_ =	swait.ge [sflag:s23], $0x1  }
0xa4: {  	[sflag:s23] =	ssyncset.done $0x0  }
0xa5: {  	s25 =	simm.s32 $0x1B8E;
	s24 =	sld [smem:$0x3FFE];
	[sflag:s23] =	ssyncadd.s32 $0xFFFFFFFF  }
0xa6: {  	s26 =	simm.s32 $execute0_lowered;
	[smem:$0x3FD2] =	sst s25  }
0xa7: {  	s6 =	sshll.u32 s26, $0x1;
	_ =	strace $0x80000046;
	[dreg:$0x1] =	wrdreg $0xFFFFFFFF  }
0xa8: {  	s28 =	simm.s32 $_size_execute0_lowered;
	s4 =	sadd.s32 s4, s6;
	[dreg:$0x0] =	wrdreg $0x0  }
0xa9: {  	s6 =	sshll.u32 s28, $0x1;
	[dreg:$0x2] =	wrdreg s4  }
0xaa: {  	[dreg:$0x3] =	wrdreg s6  }
0xab: {  	[dreg:$0x4] =	wrdreg $0xC0  }
0xac: {  	_ =	task [dreg:s8], $0x5FFFF  }
0xad: {  	[dreg:$0x1] =	wrdreg $0xFFFFFFFF  }
0xae: {  	[dreg:$0x0] =	wrdreg $0x60  }
0xaf: {  	[dreg:$0x2] =	wrdreg s24  }
0xb0: {  	[dreg:$0x3] =	wrdreg s2  }
0xb1: {  	[dreg:$0x4] =	wrdreg s18  }
0xb2: {  	[dreg:$0x5] =	wrdreg $0x9  }
0xb3: {  	_ =	task.clear_ibuf [dreg:s8], $0x6FFFF;
	_ =	strace $0x90000046  }
0xb4: {  	s29 =	simm.s32 $0x9;
	_ =	strace $0x80000048  }
0xb5: {  	_ =	swait.ge [sflag:s29], $0x1  }
0xb6: {  	[sflag:s29] =	ssyncadd.s32 $0xFFFFFFFF  }
0xb7: {  	_ =	strace $0x90000048  }
0xb8: {  	_ =	sfence  }
0xb9: {  	s30 =	sld [smem:$0x0];
	_ =	sdelay $0x2  }
0xba: {  	s31 =	sshll.u32 s1, $0xD;
	s1 =	sshrl.u32 s1, $0x2  }
0xbb: {  	s3 =	sand.u32 $0x4000, s31;
	s1 =	sadd.s32 s1, s30  }
0xbc: {  	s0 =	sor.u32 s3, s0;
	s1 =	sshll.u32 s1, $0x11  }
0xbd: {  	s0 =	sor.u32 s1, s0  }
0xbe: {  	s0 =	sadd.s32 $0x8F2B, s0  }
0xbf: {  	[sflag:s0] =	ssyncadd.remote.s32 $0x1  }
0xc0: {  	_ =	sfence.sel $0xFFFF  }
0xc1: {  	[dreg:$0x0] =	wrdreg $0xFFFFFFFF;
	(pc) =	sbr.abs _section_cstart, $3  }
0xc2: {  	[dreg:$0x1] =	wrdreg $0xFFFFFFFF  }
0xc3: {  	_ =	task.clear_ibuf [dreg:s8], $0x2FFFF;
	_ =	strace $0x9FFFFFFF  }
0xc4: {  	(tm) =	ssettm $0x7FFFFFFF  }
0xc5: {  	_ =	shalt  }
tec
execute0_lowered:
.L_overlay_start_1:
0x0: {  	(tag) =	ssettag $0x1  }
0x1: {  	s0 =	rddreg [dreg:$0x0]  }
0x2: {  	s1 =	rddreg [dreg:$0x1]  }
0x3: {  	s4 =	rddreg [dreg:$0x2]  }
0x4: {  	s3 =	srdreg.scid;
	s6 =	stileid.u32  }
0x5: {  	s2 =	simm.s32 $0x0;
	s5 =	sand.u32 $0x1, s3;
	s14 =	sshll.u32 s6, $0x1  }
0x6: {  	[smem:$0x7FF] =	sst s2;
	s6 =	sor.u32 s5, s14  }
0x7: {  	s7 =	sadd.s32 $0xD3600, s0;
	_ =	strace $0x80000047;
	s3 =	sshll.u32 s6, $0xA  }
0x8: {  	s8 =	sshll.u32 s6, $0x10;
	s10 =	sshll.u32 s6, $0x9;
	s6 =	sshll.u32 s6, $0x4  }
0x9: {  	[dreg:$0x4] =	wrdreg s7;
	s9 =	sadd.s32 s3, s0;
	s1 =	sadd.s32 s1, s6  }
0xa: {  	s15 =	sadd.s32 s8, s0;
	s3 =	sadd.s32 $0xCB600, s9;
	[dreg:$0x16] =	wrdreg s1  }
0xb: {  	s16 =	sadd.s32 $0xD4600, s15;
	[dreg:$0x5] =	wrdreg s3  }
0xc: {  	s17 =	sadd.s32 $0xD5600, s15;
	[dreg:$0x6] =	wrdreg s16  }
0xd: {  	s18 =	sadd.s32 $0xD6600, s15;
	[dreg:$0x7] =	wrdreg s17  }
0xe: {  	s19 =	sadd.s32 $0xD7600, s15;
	[dreg:$0x8] =	wrdreg s18  }
0xf: {  	s20 =	sadd.s32 $0xD8600, s15;
	[dreg:$0x9] =	wrdreg s19  }
0x10: {  	s31 =	simm.s32 $0x400;
	s21 =	sadd.s32 $0xD9600, s15;
	[dreg:$0xa] =	wrdreg s20  }
0x11: {  	s30 =	simm.s32 $0x600;
	s22 =	sadd.s32 $0xDA600, s15;
	[dreg:$0xb] =	wrdreg s21  }
0x12: {  	s29 =	simm.s32 $0x800;
	s23 =	sadd.s32 $0xDB600, s15;
	[dreg:$0xc] =	wrdreg s22  }
0x13: {  	s28 =	simm.s32 $0xA00;
	s24 =	sadd.s32 $0xDC600, s15;
	[dreg:$0xd] =	wrdreg s23  }
0x14: {  	p0 =	por $0x0, $0x0;
	s25 =	sadd.s32 $0xDD600, s15;
	[dreg:$0xe] =	wrdreg s24  }
0x15: {  	s5 =	ssub.s32 $0x2, s5;
	s8 =	sadd.s32 $0xDE600, s15;
	[dreg:$0xf] =	wrdreg s25  }
0x16: {  	s14 =	sshrl.u32 s5, $0x1;
	s26 =	sadd.s32 $0xDF600, s15;
	[dreg:$0x10] =	wrdreg s8  }
0x17: {  	s6 =	sadd.s32 s4, s6;
	s11 =	sadd.s32 $0xE0600, s15;
	[dreg:$0x11] =	wrdreg s26  }
0x18: {  	s4 =	simm.s32 $0x3;
	s12 =	sadd.s32 $0xE1600, s15;
	[dreg:$0x12] =	wrdreg s11  }
0x19: {  	s13 =	sadd.s32 $0xE2600, s15;
	s7 =	sadd.s32 $0xE3600, s15;
	[dreg:$0x13] =	wrdreg s12  }
0x1a: {  	s15 =	ssub.s32 s5, s14;
	s14 =	simm.s32 $0x12080;
	[dreg:$0x14] =	wrdreg s13  }
0x1b: {  	s3 =	sadd.s32 $0x4000, s0;
	s0 =	sadd.s32 s10, s0;
	[dreg:$0x15] =	wrdreg s7  }
0x1c: {  	s16 =	sadd.s32 $0x2D4600, s9;
	s17 =	smax.u32 s15, $0x1;
	s15 =	simm.s32 $0x200  }
0x1d: {  	s13 =	simm.s32 $0x2000;
	s11 =	simm.s32 $0xA000;
	s8 =	simm.s32 $0x1  }
0x1e: {  	s7 =	simm.s32 $0x2;
	s26 =	simm.s32 $0xC00;
	s25 =	simm.s32 $0xE00  }
0x1f: {  	s24 =	simm.s32 $0x1000;
	s23 =	simm.s32 $0x1200;
	p1 =	sne.s32 s17, $0x1  }
.Ltmp0:
0x20: {  	s22 =	simm.s32 $0x1400;
	s21 =	simm.s32 $0x1600;
	(pc) =	sbr.rel @!p1 .LBB2_3-.Ltmp0, $4  }
0x21: {  	s20 =	simm.s32 $0x1800;
	s19 =	simm.s32 $0x1A00;
	s18 =	simm.s32 $0x1C00  }
0x22: {  	s10 =	simm.s32 $0x80;
	s12 =	simm.s32 $0x14080;
	s9 =	simm.s32 $0x14100  }
0x23: {  	[dreg:$0x17] =	wrdreg s16;
	s5 =	sadd.s32 $0x2DC600, s0;
	s0 =	sadd.s32 $0xFFFFFFFF, s17  }
0x24: {  	s17 =	simm.s32 $0x1E00;
	s16 =	simm.s32 $0x12000;
	s1 =	rddreg [dreg:$0x5]  }
0x25: {  	[tilespmem:s2], [sflag:$0x3] =	stream.linear.gather [hbm4b:s1+s2], $0x2000, $0x38;
	[tilespmem:$0x15100] =	vst v63  }
0x26: {  	_ =	swait.ge [sflag:s4], $0x2000  }
0x27: {  	[sflag:s4] =	ssyncset.done $0x0  }
0x28: {  	[sflag:s4] =	ssyncadd.s32 $0xFFFFE000  }
0x29: {  	[tilespmem:s13], [sflag:$0x1] =	stream.indirect.gather [hbm4b:s3+s15], $0x40, s2, s15, $0xb8;
	[tilespmem:$0x15100] =	vst v63  }
0x2a: {  	_ = 	snop  }
0x2b: {  	[tilespmem:s11], [sflag:$0x2] =	stream.indirect.gather [hbm4b:s3+s15], $0x40, s15, s15, $0xb8;
	[tilespmem:$0x15100] =	vst v63  }
0x2c: {  	_ =	swait.ge [sflag:s8], $0x8000  }
0x2d: {  	[sflag:s8] =	ssyncset.done $0x0  }
0x2e: {  	s1 =	rddreg [dreg:$0x6];
	[sflag:s8] =	ssyncadd.s32 $0xFFFF8000  }
0x2f: {  	[hbm4b:s1+s2] =	stream.linear.scatter [tilespmem:s13], [sflag:$0x3], $0x8000, $0x38;
	[tilespmem:$0x15100] =	vst v63  }
0x30: {  	_ =	swait.ge [sflag:s4], $0x8000  }
0x31: {  	[sflag:s4] =	ssyncset.done $0x0  }
0x32: {  	[sflag:s4] =	ssyncadd.s32 $0xFFFF8000  }
0x33: {  	[tilespmem:s13], [sflag:$0x1] =	stream.indirect.gather [hbm4b:s3+s15], $0x40, s31, s15, $0xb8;
	[tilespmem:$0x15100] =	vst v63  }
0x34: {  	_ =	swait.ge [sflag:s7], $0x8000  }
0x35: {  	[sflag:s7] =	ssyncset.done $0x0  }
0x36: {  	s1 =	rddreg [dreg:$0x7];
	[sflag:s7] =	ssyncadd.s32 $0xFFFF8000  }
0x37: {  	[hbm4b:s1+s2] =	stream.linear.scatter [tilespmem:s11], [sflag:$0x3], $0x8000, $0x38;
	[tilespmem:$0x15100] =	vst v63  }
0x38: {  	_ =	swait.ge [sflag:s4], $0x8000  }
0x39: {  	[sflag:s4] =	ssyncset.done $0x0  }
0x3a: {  	[sflag:s4] =	ssyncadd.s32 $0xFFFF8000  }
0x3b: {  	[tilespmem:s11], [sflag:$0x2] =	stream.indirect.gather [hbm4b:s3+s15], $0x40, s30, s15, $0xb8;
	[tilespmem:$0x15100] =	vst v63  }
0x3c: {  	_ =	swait.ge [sflag:s8], $0x8000  }
0x3d: {  	[sflag:s8] =	ssyncset.done $0x0  }
0x3e: {  	s1 =	rddreg [dreg:$0x8];
	[sflag:s8] =	ssyncadd.s32 $0xFFFF8000  }
0x3f: {  	[hbm4b:s1+s2] =	stream.linear.scatter [tilespmem:s13], [sflag:$0x3], $0x8000, $0x38;
	[tilespmem:$0x15100] =	vst v63  }
0x40: {  	_ =	swait.ge [sflag:s4], $0x8000  }
0x41: {  	[sflag:s4] =	ssyncset.done $0x0  }
0x42: {  	[sflag:s4] =	ssyncadd.s32 $0xFFFF8000  }
0x43: {  	[tilespmem:s13], [sflag:$0x1] =	stream.indirect.gather [hbm4b:s3+s15], $0x40, s29, s15, $0xb8;
	[tilespmem:$0x15100] =	vst v63  }
0x44: {  	_ =	swait.ge [sflag:s7], $0x8000  }
0x45: {  	[sflag:s7] =	ssyncset.done $0x0  }
0x46: {  	s1 =	rddreg [dreg:$0x9];
	[sflag:s7] =	ssyncadd.s32 $0xFFFF8000  }
0x47: {  	[hbm4b:s1+s2] =	stream.linear.scatter [tilespmem:s11], [sflag:$0x3], $0x8000, $0x38;
	[tilespmem:$0x15100] =	vst v63  }
0x48: {  	_ =	swait.ge [sflag:s4], $0x8000  }
0x49: {  	[sflag:s4] =	ssyncset.done $0x0  }
0x4a: {  	[sflag:s4] =	ssyncadd.s32 $0xFFFF8000  }
0x4b: {  	[tilespmem:s11], [sflag:$0x2] =	stream.indirect.gather [hbm4b:s3+s15], $0x40, s28, s15, $0xb8;
	[tilespmem:$0x15100] =	vst v63  }
0x4c: {  	_ =	swait.ge [sflag:s8], $0x8000  }
0x4d: {  	[sflag:s8] =	ssyncset.done $0x0  }
0x4e: {  	s1 =	rddreg [dreg:$0xa];
	[sflag:s8] =	ssyncadd.s32 $0xFFFF8000  }
0x4f: {  	[hbm4b:s1+s2] =	stream.linear.scatter [tilespmem:s13], [sflag:$0x3], $0x8000, $0x38;
	[tilespmem:$0x15100] =	vst v63  }
0x50: {  	_ =	swait.ge [sflag:s4], $0x8000  }
0x51: {  	[sflag:s4] =	ssyncset.done $0x0  }
0x52: {  	[sflag:s4] =	ssyncadd.s32 $0xFFFF8000  }
0x53: {  	[tilespmem:s13], [sflag:$0x1] =	stream.indirect.gather [hbm4b:s3+s15], $0x40, s26, s15, $0xb8;
	[tilespmem:$0x15100] =	vst v63  }
0x54: {  	_ =	swait.ge [sflag:s7], $0x8000  }
0x55: {  	[sflag:s7] =	ssyncset.done $0x0  }
0x56: {  	s1 =	rddreg [dreg:$0xb];
	[sflag:s7] =	ssyncadd.s32 $0xFFFF8000  }
0x57: {  	[hbm4b:s1+s2] =	stream.linear.scatter [tilespmem:s11], [sflag:$0x3], $0x8000, $0x38;
	[tilespmem:$0x15100] =	vst v63  }
0x58: {  	_ =	swait.ge [sflag:s4], $0x8000  }
0x59: {  	[sflag:s4] =	ssyncset.done $0x0  }
0x5a: {  	[sflag:s4] =	ssyncadd.s32 $0xFFFF8000  }
0x5b: {  	[tilespmem:s11], [sflag:$0x2] =	stream.indirect.gather [hbm4b:s3+s15], $0x40, s25, s15, $0xb8;
	[tilespmem:$0x15100] =	vst v63  }
0x5c: {  	_ =	swait.ge [sflag:s8], $0x8000  }
0x5d: {  	[sflag:s8] =	ssyncset.done $0x0  }
0x5e: {  	s1 =	rddreg [dreg:$0xc];
	[sflag:s8] =	ssyncadd.s32 $0xFFFF8000  }
0x5f: {  	[hbm4b:s1+s2] =	stream.linear.scatter [tilespmem:s13], [sflag:$0x3], $0x8000, $0x38;
	[tilespmem:$0x15100] =	vst v63  }
0x60: {  	_ =	swait.ge [sflag:s4], $0x8000  }
0x61: {  	[sflag:s4] =	ssyncset.done $0x0  }
0x62: {  	[sflag:s4] =	ssyncadd.s32 $0xFFFF8000  }
0x63: {  	[tilespmem:s13], [sflag:$0x1] =	stream.indirect.gather [hbm4b:s3+s15], $0x40, s24, s15, $0xb8;
	[tilespmem:$0x15100] =	vst v63  }
0x64: {  	_ =	swait.ge [sflag:s7], $0x8000  }
0x65: {  	[sflag:s7] =	ssyncset.done $0x0  }
0x66: {  	s1 =	rddreg [dreg:$0xd];
	[sflag:s7] =	ssyncadd.s32 $0xFFFF8000  }
0x67: {  	[hbm4b:s1+s2] =	stream.linear.scatter [tilespmem:s11], [sflag:$0x3], $0x8000, $0x38;
	[tilespmem:$0x15100] =	vst v63  }
0x68: {  	_ =	swait.ge [sflag:s4], $0x8000  }
0x69: {  	[sflag:s4] =	ssyncset.done $0x0  }
0x6a: {  	[sflag:s4] =	ssyncadd.s32 $0xFFFF8000  }
0x6b: {  	[tilespmem:s11], [sflag:$0x2] =	stream.indirect.gather [hbm4b:s3+s15], $0x40, s23, s15, $0xb8;
	[tilespmem:$0x15100] =	vst v63  }
0x6c: {  	_ =	swait.ge [sflag:s8], $0x8000  }
0x6d: {  	[sflag:s8] =	ssyncset.done $0x0  }
0x6e: {  	s1 =	rddreg [dreg:$0xe];
	[sflag:s8] =	ssyncadd.s32 $0xFFFF8000  }
0x6f: {  	[hbm4b:s1+s2] =	stream.linear.scatter [tilespmem:s13], [sflag:$0x3], $0x8000, $0x38;
	[tilespmem:$0x15100] =	vst v63  }
0x70: {  	_ =	swait.ge [sflag:s4], $0x8000  }
0x71: {  	[sflag:s4] =	ssyncset.done $0x0  }
0x72: {  	[sflag:s4] =	ssyncadd.s32 $0xFFFF8000  }
0x73: {  	[tilespmem:s13], [sflag:$0x1] =	stream.indirect.gather [hbm4b:s3+s15], $0x40, s22, s15, $0xb8;
	[tilespmem:$0x15100] =	vst v63  }
0x74: {  	_ =	swait.ge [sflag:s7], $0x8000  }
0x75: {  	[sflag:s7] =	ssyncset.done $0x0  }
0x76: {  	s1 =	rddreg [dreg:$0xf];
	[sflag:s7] =	ssyncadd.s32 $0xFFFF8000  }
0x77: {  	[hbm4b:s1+s2] =	stream.linear.scatter [tilespmem:s11], [sflag:$0x3], $0x8000, $0x38;
	[tilespmem:$0x15100] =	vst v63  }
0x78: {  	_ =	swait.ge [sflag:s4], $0x8000  }
0x79: {  	[sflag:s4] =	ssyncset.done $0x0  }
0x7a: {  	[sflag:s4] =	ssyncadd.s32 $0xFFFF8000  }
0x7b: {  	[tilespmem:s11], [sflag:$0x2] =	stream.indirect.gather [hbm4b:s3+s15], $0x40, s21, s15, $0xb8;
	[tilespmem:$0x15100] =	vst v63  }
0x7c: {  	_ =	swait.ge [sflag:s8], $0x8000  }
0x7d: {  	[sflag:s8] =	ssyncset.done $0x0  }
0x7e: {  	s1 =	rddreg [dreg:$0x10];
	[sflag:s8] =	ssyncadd.s32 $0xFFFF8000  }
0x7f: {  	[hbm4b:s1+s2] =	stream.linear.scatter [tilespmem:s13], [sflag:$0x3], $0x8000, $0x38;
	[tilespmem:$0x15100] =	vst v63  }
0x80: {  	_ =	swait.ge [sflag:s4], $0x8000  }
0x81: {  	[sflag:s4] =	ssyncset.done $0x0  }
0x82: {  	[sflag:s4] =	ssyncadd.s32 $0xFFFF8000  }
0x83: {  	[tilespmem:s13], [sflag:$0x1] =	stream.indirect.gather [hbm4b:s3+s15], $0x40, s20, s15, $0xb8;
	[tilespmem:$0x15100] =	vst v63  }
0x84: {  	_ =	swait.ge [sflag:s7], $0x8000  }
0x85: {  	[sflag:s7] =	ssyncset.done $0x0  }
0x86: {  	s1 =	rddreg [dreg:$0x11];
	[sflag:s7] =	ssyncadd.s32 $0xFFFF8000  }
0x87: {  	[hbm4b:s1+s2] =	stream.linear.scatter [tilespmem:s11], [sflag:$0x3], $0x8000, $0x38;
	[tilespmem:$0x15100] =	vst v63  }
0x88: {  	_ =	swait.ge [sflag:s4], $0x8000  }
0x89: {  	[sflag:s4] =	ssyncset.done $0x0  }
0x8a: {  	[sflag:s4] =	ssyncadd.s32 $0xFFFF8000  }
0x8b: {  	[tilespmem:s11], [sflag:$0x2] =	stream.indirect.gather [hbm4b:s3+s15], $0x40, s19, s15, $0xb8;
	[tilespmem:$0x15100] =	vst v63  }
0x8c: {  	_ =	swait.ge [sflag:s8], $0x8000  }
0x8d: {  	[sflag:s8] =	ssyncset.done $0x0  }
0x8e: {  	s1 =	rddreg [dreg:$0x12];
	[sflag:s8] =	ssyncadd.s32 $0xFFFF8000  }
0x8f: {  	[hbm4b:s1+s2] =	stream.linear.scatter [tilespmem:s13], [sflag:$0x3], $0x8000, $0x38;
	[tilespmem:$0x15100] =	vst v63  }
0x90: {  	_ =	swait.ge [sflag:s4], $0x8000  }
0x91: {  	[sflag:s4] =	ssyncset.done $0x0  }
0x92: {  	[sflag:s4] =	ssyncadd.s32 $0xFFFF8000  }
0x93: {  	[tilespmem:s13], [sflag:$0x1] =	stream.indirect.gather [hbm4b:s3+s15], $0x40, s18, s15, $0xb8;
	[tilespmem:$0x15100] =	vst v63  }
0x94: {  	_ =	swait.ge [sflag:s7], $0x8000  }
0x95: {  	[sflag:s7] =	ssyncset.done $0x0  }
0x96: {  	s1 =	rddreg [dreg:$0x13];
	[sflag:s7] =	ssyncadd.s32 $0xFFFF8000  }
0x97: {  	[hbm4b:s1+s2] =	stream.linear.scatter [tilespmem:s11], [sflag:$0x3], $0x8000, $0x38;
	[tilespmem:$0x15100] =	vst v63  }
0x98: {  	_ =	swait.ge [sflag:s4], $0x8000  }
0x99: {  	[sflag:s4] =	ssyncset.done $0x0  }
0x9a: {  	[sflag:s4] =	ssyncadd.s32 $0xFFFF8000  }
0x9b: {  	[tilespmem:s11], [sflag:$0x2] =	stream.indirect.gather [hbm4b:s3+s15], $0x40, s17, s15, $0xb8;
	[tilespmem:$0x15100] =	vst v63  }
0x9c: {  	_ =	swait.ge [sflag:s8], $0x8000  }
0x9d: {  	[sflag:s8] =	ssyncset.done $0x0  }
0x9e: {  	s1 =	rddreg [dreg:$0x14];
	[sflag:s8] =	ssyncadd.s32 $0xFFFF8000  }
0x9f: {  	[hbm4b:s1+s2] =	stream.linear.scatter [tilespmem:s13], [sflag:$0x3], $0x8000, $0x38;
	[tilespmem:$0x15100] =	vst v63  }
0xa0: {  	_ =	swait.ge [sflag:s4], $0x8000  }
0xa1: {  	[sflag:s4] =	ssyncset.done $0x0  }
0xa2: {  	[sflag:s4] =	ssyncadd.s32 $0xFFFF8000  }
0xa3: {  	_ =	swait.ge [sflag:s7], $0x8000  }
0xa4: {  	[sflag:s7] =	ssyncset.done $0x0  }
0xa5: {  	s1 =	rddreg [dreg:$0x15];
	[sflag:s7] =	ssyncadd.s32 $0xFFFF8000  }
0xa6: {  	[hbm4b:s1+s2] =	stream.linear.scatter [tilespmem:s11], [sflag:$0x3], $0x8000, $0x38;
	[tilespmem:$0x15100] =	vst v63  }
0xa7: {  	_ =	swait.ge [sflag:s4], $0x8000  }
0xa8: {  	[sflag:s4] =	ssyncset.done $0x0  }
0xa9: {  	s1 =	rddreg [dreg:$0x16];
	[sflag:s4] =	ssyncadd.s32 $0xFFFF8000  }
0xaa: {  	[tilespmem:s16], [sflag:$0x3] =	stream.linear.gather [hbm4b:s1+s2], $0x80, $0x38;
	[tilespmem:$0x15100] =	vst v63  }
0xab: {  	_ =	swait.ge [sflag:s4], $0x80  }
0xac: {  	[sflag:s4] =	ssyncset.done $0x0  }
0xad: {  	[sflag:s4] =	ssyncadd.s32 $0xFFFFFF80  }
0xae: {  	[tilespmem:s14], [sflag:$0x1] =	stream.indirect.gather [hbm4b:s3+s10], $0x40, s16, s10, $0xb8;
	[tilespmem:$0x15100] =	vst v63  }
0xaf: {  	_ =	swait.ge [sflag:s8], $0x2000  }
0xb0: {  	[sflag:s8] =	ssyncset.done $0x0  }
0xb1: {  	s1 =	rddreg [dreg:$0x17];
	[sflag:s8] =	ssyncadd.s32 $0xFFFFE000  }
0xb2: {  	[hbm4b:s1+s2] =	stream.linear.scatter [tilespmem:s14], [sflag:$0x3], $0x2000, $0x38;
	[tilespmem:$0x15100] =	vst v63  }
0xb3: {  	_ =	swait.ge [sflag:s4], $0x2000  }
0xb4: {  	[sflag:s4] =	ssyncset.done $0x0  }
0xb5: {  	[sflag:s4] =	ssyncadd.s32 $0xFFFFE000  }
0xb6: {  	[tilespmem:s12], [sflag:$0x3] =	stream.linear.gather [hbm4b:s6+s2], $0x80, $0x38;
	[tilespmem:$0x15100] =	vst v63  }
0xb7: {  	_ =	swait.ge [sflag:s4], $0x80  }
0xb8: {  	[sflag:s4] =	ssyncset.done $0x0  }
0xb9: {  	s1 =	rddreg [dreg:$0x4];
	[sflag:s4] =	ssyncadd.s32 $0xFFFFFF80  }
0xba: {  	[tilespmem:s9], [sflag:$0x2] =	stream.indirect.gather [hbm4b:s1+s10], $0x20, s12, s10, $0xb8;
	[tilespmem:$0x15100] =	vst v63  }
0xbb: {  	p1 =	sne.s32 s0, $0x1;
	_ =	swait.ge [sflag:s7], $0x1000  }
.Ltmp1:
0xbc: {  	[sflag:s7] =	ssyncset.done $0x0;
	(pc) =	sbr.rel @!p1 .LBB2_3-.Ltmp1, $4  }
0xbd: {  	[sflag:s7] =	ssyncadd.s32 $0xFFFFF000  }
0xbe: {  	[hbm4b:s5+s2] =	stream.linear.scatter [tilespmem:s9], [sflag:$0x3], $0x1000, $0x38;
	[tilespmem:$0x15100] =	vst v63  }
0xbf: {  	s0 =	sadd.s32 $0xFFFFFFFF, s0;
	_ =	swait.ge [sflag:s4], $0x1000  }
0xc0: {  	p0 =	por $0x1, $0x1;
	s1 =	rddreg [dreg:$0x5];
	[sflag:s4] =	ssyncset.done $0x0  }
.LBB2_2:
0xc1: {  	[sflag:s4] =	ssyncadd.s32 $0xFFFFF000  }
0xc2: {  	[tilespmem:s2], [sflag:$0x3] =	stream.linear.gather [hbm4b:s1+s2], $0x2000, $0x38;
	[tilespmem:$0x15100] =	vst v63  }
0xc3: {  	_ =	swait.ge [sflag:s4], $0x2000  }
0xc4: {  	[sflag:s4] =	ssyncset.done $0x0  }
0xc5: {  	[sflag:s4] =	ssyncadd.s32 $0xFFFFE000  }
0xc6: {  	[tilespmem:s13], [sflag:$0x1] =	stream.indirect.gather [hbm4b:s3+s15], $0x40, s2, s15, $0xb8;
	[tilespmem:$0x15100] =	vst v63  }
0xc7: {  	_ = 	snop  }
0xc8: {  	[tilespmem:s11], [sflag:$0x2] =	stream.indirect.gather [hbm4b:s3+s15], $0x40, s15, s15, $0xb8;
	[tilespmem:$0x15100] =	vst v63  }
0xc9: {  	_ =	swait.ge [sflag:s8], $0x8000  }
0xca: {  	[sflag:s8] =	ssyncset.done $0x0  }
0xcb: {  	s1 =	rddreg [dreg:$0x6];
	[sflag:s8] =	ssyncadd.s32 $0xFFFF8000  }
0xcc: {  	[hbm4b:s1+s2] =	stream.linear.scatter [tilespmem:s13], [sflag:$0x3], $0x8000, $0x38;
	[tilespmem:$0x15100] =	vst v63  }
0xcd: {  	_ =	swait.ge [sflag:s4], $0x8000  }
0xce: {  	[sflag:s4] =	ssyncset.done $0x0  }
0xcf: {  	[sflag:s4] =	ssyncadd.s32 $0xFFFF8000  }
0xd0: {  	[tilespmem:s13], [sflag:$0x1] =	stream.indirect.gather [hbm4b:s3+s15], $0x40, s31, s15, $0xb8;
	[tilespmem:$0x15100] =	vst v63  }
0xd1: {  	_ =	swait.ge [sflag:s7], $0x8000  }
0xd2: {  	[sflag:s7] =	ssyncset.done $0x0  }
0xd3: {  	s1 =	rddreg [dreg:$0x7];
	[sflag:s7] =	ssyncadd.s32 $0xFFFF8000  }
0xd4: {  	[hbm4b:s1+s2] =	stream.linear.scatter [tilespmem:s11], [sflag:$0x3], $0x8000, $0x38;
	[tilespmem:$0x15100] =	vst v63  }
0xd5: {  	_ =	swait.ge [sflag:s4], $0x8000  }
0xd6: {  	[sflag:s4] =	ssyncset.done $0x0  }
0xd7: {  	[sflag:s4] =	ssyncadd.s32 $0xFFFF8000  }
0xd8: {  	[tilespmem:s11], [sflag:$0x2] =	stream.indirect.gather [hbm4b:s3+s15], $0x40, s30, s15, $0xb8;
	[tilespmem:$0x15100] =	vst v63  }
0xd9: {  	_ =	swait.ge [sflag:s8], $0x8000  }
0xda: {  	[sflag:s8] =	ssyncset.done $0x0  }
0xdb: {  	s1 =	rddreg [dreg:$0x8];
	[sflag:s8] =	ssyncadd.s32 $0xFFFF8000  }
0xdc: {  	[hbm4b:s1+s2] =	stream.linear.scatter [tilespmem:s13], [sflag:$0x3], $0x8000, $0x38;
	[tilespmem:$0x15100] =	vst v63  }
0xdd: {  	_ =	swait.ge [sflag:s4], $0x8000  }
0xde: {  	[sflag:s4] =	ssyncset.done $0x0  }
0xdf: {  	[sflag:s4] =	ssyncadd.s32 $0xFFFF8000  }
0xe0: {  	[tilespmem:s13], [sflag:$0x1] =	stream.indirect.gather [hbm4b:s3+s15], $0x40, s29, s15, $0xb8;
	[tilespmem:$0x15100] =	vst v63  }
0xe1: {  	_ =	swait.ge [sflag:s7], $0x8000  }
0xe2: {  	[sflag:s7] =	ssyncset.done $0x0  }
0xe3: {  	s1 =	rddreg [dreg:$0x9];
	[sflag:s7] =	ssyncadd.s32 $0xFFFF8000  }
0xe4: {  	[hbm4b:s1+s2] =	stream.linear.scatter [tilespmem:s11], [sflag:$0x3], $0x8000, $0x38;
	[tilespmem:$0x15100] =	vst v63  }
0xe5: {  	_ =	swait.ge [sflag:s4], $0x8000  }
0xe6: {  	[sflag:s4] =	ssyncset.done $0x0  }
0xe7: {  	[sflag:s4] =	ssyncadd.s32 $0xFFFF8000  }
0xe8: {  	[tilespmem:s11], [sflag:$0x2] =	stream.indirect.gather [hbm4b:s3+s15], $0x40, s28, s15, $0xb8;
	[tilespmem:$0x15100] =	vst v63  }
0xe9: {  	_ =	swait.ge [sflag:s8], $0x8000  }
0xea: {  	[sflag:s8] =	ssyncset.done $0x0  }
0xeb: {  	s1 =	rddreg [dreg:$0xa];
	[sflag:s8] =	ssyncadd.s32 $0xFFFF8000  }
0xec: {  	[hbm4b:s1+s2] =	stream.linear.scatter [tilespmem:s13], [sflag:$0x3], $0x8000, $0x38;
	[tilespmem:$0x15100] =	vst v63  }
0xed: {  	_ =	swait.ge [sflag:s4], $0x8000  }
0xee: {  	[sflag:s4] =	ssyncset.done $0x0  }
0xef: {  	[sflag:s4] =	ssyncadd.s32 $0xFFFF8000  }
0xf0: {  	[tilespmem:s13], [sflag:$0x1] =	stream.indirect.gather [hbm4b:s3+s15], $0x40, s26, s15, $0xb8;
	[tilespmem:$0x15100] =	vst v63  }
0xf1: {  	_ =	swait.ge [sflag:s7], $0x8000  }
0xf2: {  	[sflag:s7] =	ssyncset.done $0x0  }
0xf3: {  	s1 =	rddreg [dreg:$0xb];
	[sflag:s7] =	ssyncadd.s32 $0xFFFF8000  }
0xf4: {  	[hbm4b:s1+s2] =	stream.linear.scatter [tilespmem:s11], [sflag:$0x3], $0x8000, $0x38;
	[tilespmem:$0x15100] =	vst v63  }
0xf5: {  	_ =	swait.ge [sflag:s4], $0x8000  }
0xf6: {  	[sflag:s4] =	ssyncset.done $0x0  }
0xf7: {  	[sflag:s4] =	ssyncadd.s32 $0xFFFF8000  }
0xf8: {  	[tilespmem:s11], [sflag:$0x2] =	stream.indirect.gather [hbm4b:s3+s15], $0x40, s25, s15, $0xb8;
	[tilespmem:$0x15100] =	vst v63  }
0xf9: {  	_ =	swait.ge [sflag:s8], $0x8000  }
0xfa: {  	[sflag:s8] =	ssyncset.done $0x0  }
0xfb: {  	s1 =	rddreg [dreg:$0xc];
	[sflag:s8] =	ssyncadd.s32 $0xFFFF8000  }
0xfc: {  	[hbm4b:s1+s2] =	stream.linear.scatter [tilespmem:s13], [sflag:$0x3], $0x8000, $0x38;
	[tilespmem:$0x15100] =	vst v63  }
0xfd: {  	_ =	swait.ge [sflag:s4], $0x8000  }
0xfe: {  	[sflag:s4] =	ssyncset.done $0x0  }
0xff: {  	[sflag:s4] =	ssyncadd.s32 $0xFFFF8000  }
0x100: {  	[tilespmem:s13], [sflag:$0x1] =	stream.indirect.gather [hbm4b:s3+s15], $0x40, s24, s15, $0xb8;
	[tilespmem:$0x15100] =	vst v63  }
0x101: {  	_ =	swait.ge [sflag:s7], $0x8000  }
0x102: {  	[sflag:s7] =	ssyncset.done $0x0  }
0x103: {  	s1 =	rddreg [dreg:$0xd];
	[sflag:s7] =	ssyncadd.s32 $0xFFFF8000  }
0x104: {  	[hbm4b:s1+s2] =	stream.linear.scatter [tilespmem:s11], [sflag:$0x3], $0x8000, $0x38;
	[tilespmem:$0x15100] =	vst v63  }
0x105: {  	_ =	swait.ge [sflag:s4], $0x8000  }
0x106: {  	[sflag:s4] =	ssyncset.done $0x0  }
0x107: {  	[sflag:s4] =	ssyncadd.s32 $0xFFFF8000  }
0x108: {  	[tilespmem:s11], [sflag:$0x2] =	stream.indirect.gather [hbm4b:s3+s15], $0x40, s23, s15, $0xb8;
	[tilespmem:$0x15100] =	vst v63  }
0x109: {  	_ =	swait.ge [sflag:s8], $0x8000  }
0x10a: {  	[sflag:s8] =	ssyncset.done $0x0  }
0x10b: {  	s1 =	rddreg [dreg:$0xe];
	[sflag:s8] =	ssyncadd.s32 $0xFFFF8000  }
0x10c: {  	[hbm4b:s1+s2] =	stream.linear.scatter [tilespmem:s13], [sflag:$0x3], $0x8000, $0x38;
	[tilespmem:$0x15100] =	vst v63  }
0x10d: {  	_ =	swait.ge [sflag:s4], $0x8000  }
0x10e: {  	[sflag:s4] =	ssyncset.done $0x0  }
0x10f: {  	[sflag:s4] =	ssyncadd.s32 $0xFFFF8000  }
0x110: {  	[tilespmem:s13], [sflag:$0x1] =	stream.indirect.gather [hbm4b:s3+s15], $0x40, s22, s15, $0xb8;
	[tilespmem:$0x15100] =	vst v63  }
0x111: {  	_ =	swait.ge [sflag:s7], $0x8000  }
0x112: {  	[sflag:s7] =	ssyncset.done $0x0  }
0x113: {  	s1 =	rddreg [dreg:$0xf];
	[sflag:s7] =	ssyncadd.s32 $0xFFFF8000  }
0x114: {  	[hbm4b:s1+s2] =	stream.linear.scatter [tilespmem:s11], [sflag:$0x3], $0x8000, $0x38;
	[tilespmem:$0x15100] =	vst v63  }
0x115: {  	_ =	swait.ge [sflag:s4], $0x8000  }
0x116: {  	[sflag:s4] =	ssyncset.done $0x0  }
0x117: {  	[sflag:s4] =	ssyncadd.s32 $0xFFFF8000  }
0x118: {  	[tilespmem:s11], [sflag:$0x2] =	stream.indirect.gather [hbm4b:s3+s15], $0x40, s21, s15, $0xb8;
	[tilespmem:$0x15100] =	vst v63  }
0x119: {  	_ =	swait.ge [sflag:s8], $0x8000  }
0x11a: {  	[sflag:s8] =	ssyncset.done $0x0  }
0x11b: {  	s1 =	rddreg [dreg:$0x10];
	[sflag:s8] =	ssyncadd.s32 $0xFFFF8000  }
0x11c: {  	[hbm4b:s1+s2] =	stream.linear.scatter [tilespmem:s13], [sflag:$0x3], $0x8000, $0x38;
	[tilespmem:$0x15100] =	vst v63  }
0x11d: {  	_ =	swait.ge [sflag:s4], $0x8000  }
0x11e: {  	[sflag:s4] =	ssyncset.done $0x0  }
0x11f: {  	[sflag:s4] =	ssyncadd.s32 $0xFFFF8000  }
0x120: {  	[tilespmem:s13], [sflag:$0x1] =	stream.indirect.gather [hbm4b:s3+s15], $0x40, s20, s15, $0xb8;
	[tilespmem:$0x15100] =	vst v63  }
0x121: {  	_ =	swait.ge [sflag:s7], $0x8000  }
0x122: {  	[sflag:s7] =	ssyncset.done $0x0  }
0x123: {  	s1 =	rddreg [dreg:$0x11];
	[sflag:s7] =	ssyncadd.s32 $0xFFFF8000  }
0x124: {  	[hbm4b:s1+s2] =	stream.linear.scatter [tilespmem:s11], [sflag:$0x3], $0x8000, $0x38;
	[tilespmem:$0x15100] =	vst v63  }
0x125: {  	_ =	swait.ge [sflag:s4], $0x8000  }
0x126: {  	[sflag:s4] =	ssyncset.done $0x0  }
0x127: {  	[sflag:s4] =	ssyncadd.s32 $0xFFFF8000  }
0x128: {  	[tilespmem:s11], [sflag:$0x2] =	stream.indirect.gather [hbm4b:s3+s15], $0x40, s19, s15, $0xb8;
	[tilespmem:$0x15100] =	vst v63  }
0x129: {  	_ =	swait.ge [sflag:s8], $0x8000  }
0x12a: {  	[sflag:s8] =	ssyncset.done $0x0  }
0x12b: {  	s1 =	rddreg [dreg:$0x12];
	[sflag:s8] =	ssyncadd.s32 $0xFFFF8000  }
0x12c: {  	[hbm4b:s1+s2] =	stream.linear.scatter [tilespmem:s13], [sflag:$0x3], $0x8000, $0x38;
	[tilespmem:$0x15100] =	vst v63  }
0x12d: {  	_ =	swait.ge [sflag:s4], $0x8000  }
0x12e: {  	[sflag:s4] =	ssyncset.done $0x0  }
0x12f: {  	[sflag:s4] =	ssyncadd.s32 $0xFFFF8000  }
0x130: {  	[tilespmem:s13], [sflag:$0x1] =	stream.indirect.gather [hbm4b:s3+s15], $0x40, s18, s15, $0xb8;
	[tilespmem:$0x15100] =	vst v63  }
0x131: {  	_ =	swait.ge [sflag:s7], $0x8000  }
0x132: {  	[sflag:s7] =	ssyncset.done $0x0  }
0x133: {  	s1 =	rddreg [dreg:$0x13];
	[sflag:s7] =	ssyncadd.s32 $0xFFFF8000  }
0x134: {  	[hbm4b:s1+s2] =	stream.linear.scatter [tilespmem:s11], [sflag:$0x3], $0x8000, $0x38;
	[tilespmem:$0x15100] =	vst v63  }
0x135: {  	_ =	swait.ge [sflag:s4], $0x8000  }
0x136: {  	[sflag:s4] =	ssyncset.done $0x0  }
0x137: {  	[sflag:s4] =	ssyncadd.s32 $0xFFFF8000  }
0x138: {  	[tilespmem:s11], [sflag:$0x2] =	stream.indirect.gather [hbm4b:s3+s15], $0x40, s17, s15, $0xb8;
	[tilespmem:$0x15100] =	vst v63  }
0x139: {  	_ =	swait.ge [sflag:s8], $0x8000  }
0x13a: {  	[sflag:s8] =	ssyncset.done $0x0  }
0x13b: {  	s1 =	rddreg [dreg:$0x14];
	[sflag:s8] =	ssyncadd.s32 $0xFFFF8000  }
0x13c: {  	[hbm4b:s1+s2] =	stream.linear.scatter [tilespmem:s13], [sflag:$0x3], $0x8000, $0x38;
	[tilespmem:$0x15100] =	vst v63  }
0x13d: {  	_ =	swait.ge [sflag:s4], $0x8000  }
0x13e: {  	[sflag:s4] =	ssyncset.done $0x0  }
0x13f: {  	[sflag:s4] =	ssyncadd.s32 $0xFFFF8000  }
0x140: {  	_ =	swait.ge [sflag:s7], $0x8000  }
0x141: {  	[sflag:s7] =	ssyncset.done $0x0  }
0x142: {  	s1 =	rddreg [dreg:$0x15];
	[sflag:s7] =	ssyncadd.s32 $0xFFFF8000  }
0x143: {  	[hbm4b:s1+s2] =	stream.linear.scatter [tilespmem:s11], [sflag:$0x3], $0x8000, $0x38;
	[tilespmem:$0x15100] =	vst v63  }
0x144: {  	_ =	swait.ge [sflag:s4], $0x8000  }
0x145: {  	[sflag:s4] =	ssyncset.done $0x0  }
0x146: {  	s1 =	rddreg [dreg:$0x16];
	[sflag:s4] =	ssyncadd.s32 $0xFFFF8000  }
0x147: {  	[tilespmem:s16], [sflag:$0x3] =	stream.linear.gather [hbm4b:s1+s2], $0x80, $0x38;
	[tilespmem:$0x15100] =	vst v63  }
0x148: {  	_ =	swait.ge [sflag:s4], $0x80  }
0x149: {  	[sflag:s4] =	ssyncset.done $0x0  }
0x14a: {  	[sflag:s4] =	ssyncadd.s32 $0xFFFFFF80  }
0x14b: {  	[tilespmem:s14], [sflag:$0x1] =	stream.indirect.gather [hbm4b:s3+s10], $0x40, s16, s10, $0xb8;
	[tilespmem:$0x15100] =	vst v63  }
0x14c: {  	_ =	swait.ge [sflag:s8], $0x2000  }
0x14d: {  	[sflag:s8] =	ssyncset.done $0x0  }
0x14e: {  	s1 =	rddreg [dreg:$0x17];
	[sflag:s8] =	ssyncadd.s32 $0xFFFFE000  }
0x14f: {  	[hbm4b:s1+s2] =	stream.linear.scatter [tilespmem:s14], [sflag:$0x3], $0x2000, $0x38;
	[tilespmem:$0x15100] =	vst v63  }
0x150: {  	_ =	swait.ge [sflag:s4], $0x2000  }
0x151: {  	[sflag:s4] =	ssyncset.done $0x0  }
0x152: {  	[sflag:s4] =	ssyncadd.s32 $0xFFFFE000  }
0x153: {  	[tilespmem:s12], [sflag:$0x3] =	stream.linear.gather [hbm4b:s6+s2], $0x80, $0x38;
	[tilespmem:$0x15100] =	vst v63  }
0x154: {  	_ =	swait.ge [sflag:s4], $0x80  }
0x155: {  	[sflag:s4] =	ssyncset.done $0x0  }
0x156: {  	s1 =	rddreg [dreg:$0x4];
	[sflag:s4] =	ssyncadd.s32 $0xFFFFFF80  }
0x157: {  	[tilespmem:s9], [sflag:$0x2] =	stream.indirect.gather [hbm4b:s1+s10], $0x20, s12, s10, $0xb8;
	[tilespmem:$0x15100] =	vst v63  }
0x158: {  	p1 =	sne.s32 s0, $0x1;
	_ =	swait.ge [sflag:s7], $0x1000  }
.Ltmp2:
0x159: {  	[sflag:s7] =	ssyncset.done $0x0;
	(pc) =	sbr.rel @p1 .LBB2_2-.Ltmp2, $4  }
0x15a: {  	[sflag:s7] =	ssyncadd.s32 $0xFFFFF000  }
0x15b: {  	[hbm4b:s5+s2] =	stream.linear.scatter [tilespmem:s9], [sflag:$0x3], $0x1000, $0x38;
	[tilespmem:$0x15100] =	vst v63  }
0x15c: {  	_ =	swait.ge [sflag:s4], $0x1000  }
0x15d: {  	s0 =	sadd.s32 $0xFFFFFFFF, s0;
	s1 =	rddreg [dreg:$0x5];
	[sflag:s4] =	ssyncset.done $0x0  }
.LBB2_3:
0x15e: {  	[sflag:s4] =	ssyncadd.s32 @p0 $0xFFFFF000  }
0x15f: {  	[tilespmem:s2], [sflag:$0x3] =	stream.linear.gather [hbm4b:s1+s2], $0x2000, $0x38;
	[tilespmem:$0x15100] =	vst v63  }
0x160: {  	_ =	swait.ge [sflag:s4], $0x2000  }
0x161: {  	[sflag:s4] =	ssyncset.done $0x0  }
0x162: {  	[sflag:s4] =	ssyncadd.s32 $0xFFFFE000  }
0x163: {  	[tilespmem:s13], [sflag:$0x1] =	stream.indirect.gather [hbm4b:s3+s15], $0x40, s2, s15, $0xb8;
	[tilespmem:$0x15100] =	vst v63  }
0x164: {  	_ = 	snop  }
0x165: {  	[tilespmem:s11], [sflag:$0x2] =	stream.indirect.gather [hbm4b:s3+s15], $0x40, s15, s15, $0xb8;
	[tilespmem:$0x15100] =	vst v63  }
0x166: {  	_ =	swait.ge [sflag:s8], $0x8000  }
0x167: {  	[sflag:s8] =	ssyncset.done $0x0  }
0x168: {  	s0 =	rddreg [dreg:$0x6];
	[sflag:s8] =	ssyncadd.s32 $0xFFFF8000  }
0x169: {  	[hbm4b:s0+s2] =	stream.linear.scatter [tilespmem:s13], [sflag:$0x3], $0x8000, $0x38;
	[tilespmem:$0x15100] =	vst v63  }
0x16a: {  	_ =	swait.ge [sflag:s4], $0x8000  }
0x16b: {  	[sflag:s4] =	ssyncset.done $0x0  }
0x16c: {  	[sflag:s4] =	ssyncadd.s32 $0xFFFF8000  }
0x16d: {  	[tilespmem:s13], [sflag:$0x1] =	stream.indirect.gather [hbm4b:s3+s15], $0x40, s31, s15, $0xb8;
	[tilespmem:$0x15100] =	vst v63  }
0x16e: {  	_ =	swait.ge [sflag:s7], $0x8000  }
0x16f: {  	[sflag:s7] =	ssyncset.done $0x0  }
0x170: {  	s1 =	rddreg [dreg:$0x7];
	[sflag:s7] =	ssyncadd.s32 $0xFFFF8000  }
0x171: {  	[hbm4b:s1+s2] =	stream.linear.scatter [tilespmem:s11], [sflag:$0x3], $0x8000, $0x38;
	[tilespmem:$0x15100] =	vst v63  }
0x172: {  	_ =	swait.ge [sflag:s4], $0x8000  }
0x173: {  	[sflag:s4] =	ssyncset.done $0x0  }
0x174: {  	[sflag:s4] =	ssyncadd.s32 $0xFFFF8000  }
0x175: {  	[tilespmem:s11], [sflag:$0x2] =	stream.indirect.gather [hbm4b:s3+s15], $0x40, s30, s15, $0xb8;
	[tilespmem:$0x15100] =	vst v63  }
0x176: {  	_ =	swait.ge [sflag:s8], $0x8000  }
0x177: {  	[sflag:s8] =	ssyncset.done $0x0  }
0x178: {  	s30 =	rddreg [dreg:$0x8];
	[sflag:s8] =	ssyncadd.s32 $0xFFFF8000  }
0x179: {  	[hbm4b:s30+s2] =	stream.linear.scatter [tilespmem:s13], [sflag:$0x3], $0x8000, $0x38;
	[tilespmem:$0x15100] =	vst v63  }
0x17a: {  	_ =	swait.ge [sflag:s4], $0x8000  }
0x17b: {  	[sflag:s4] =	ssyncset.done $0x0  }
0x17c: {  	[sflag:s4] =	ssyncadd.s32 $0xFFFF8000  }
0x17d: {  	[tilespmem:s13], [sflag:$0x1] =	stream.indirect.gather [hbm4b:s3+s15], $0x40, s29, s15, $0xb8;
	[tilespmem:$0x15100] =	vst v63  }
0x17e: {  	_ =	swait.ge [sflag:s7], $0x8000  }
0x17f: {  	[sflag:s7] =	ssyncset.done $0x0  }
0x180: {  	s31 =	rddreg [dreg:$0x9];
	[sflag:s7] =	ssyncadd.s32 $0xFFFF8000  }
0x181: {  	[hbm4b:s31+s2] =	stream.linear.scatter [tilespmem:s11], [sflag:$0x3], $0x8000, $0x38;
	[tilespmem:$0x15100] =	vst v63  }
0x182: {  	_ =	swait.ge [sflag:s4], $0x8000  }
0x183: {  	[sflag:s4] =	ssyncset.done $0x0  }
0x184: {  	[sflag:s4] =	ssyncadd.s32 $0xFFFF8000  }
0x185: {  	[tilespmem:s11], [sflag:$0x2] =	stream.indirect.gather [hbm4b:s3+s15], $0x40, s28, s15, $0xb8;
	[tilespmem:$0x15100] =	vst v63  }
0x186: {  	_ =	swait.ge [sflag:s8], $0x8000  }
0x187: {  	[sflag:s8] =	ssyncset.done $0x0  }
0x188: {  	s1 =	rddreg [dreg:$0xa];
	[sflag:s8] =	ssyncadd.s32 $0xFFFF8000  }
0x189: {  	[hbm4b:s1+s2] =	stream.linear.scatter [tilespmem:s13], [sflag:$0x3], $0x8000, $0x38;
	[tilespmem:$0x15100] =	vst v63  }
0x18a: {  	_ =	swait.ge [sflag:s4], $0x8000  }
0x18b: {  	[sflag:s4] =	ssyncset.done $0x0  }
0x18c: {  	[sflag:s4] =	ssyncadd.s32 $0xFFFF8000  }
0x18d: {  	[tilespmem:s13], [sflag:$0x1] =	stream.indirect.gather [hbm4b:s3+s15], $0x40, s26, s15, $0xb8;
	[tilespmem:$0x15100] =	vst v63  }
0x18e: {  	_ =	swait.ge [sflag:s7], $0x8000  }
0x18f: {  	[sflag:s7] =	ssyncset.done $0x0  }
0x190: {  	s28 =	rddreg [dreg:$0xb];
	[sflag:s7] =	ssyncadd.s32 $0xFFFF8000  }
0x191: {  	[hbm4b:s28+s2] =	stream.linear.scatter [tilespmem:s11], [sflag:$0x3], $0x8000, $0x38;
	[tilespmem:$0x15100] =	vst v63  }
0x192: {  	_ =	swait.ge [sflag:s4], $0x8000  }
0x193: {  	[sflag:s4] =	ssyncset.done $0x0  }
0x194: {  	[sflag:s4] =	ssyncadd.s32 $0xFFFF8000  }
0x195: {  	[tilespmem:s11], [sflag:$0x2] =	stream.indirect.gather [hbm4b:s3+s15], $0x40, s25, s15, $0xb8;
	[tilespmem:$0x15100] =	vst v63  }
0x196: {  	_ =	swait.ge [sflag:s8], $0x8000  }
0x197: {  	[sflag:s8] =	ssyncset.done $0x0  }
0x198: {  	s29 =	rddreg [dreg:$0xc];
	[sflag:s8] =	ssyncadd.s32 $0xFFFF8000  }
0x199: {  	[hbm4b:s29+s2] =	stream.linear.scatter [tilespmem:s13], [sflag:$0x3], $0x8000, $0x38;
	[tilespmem:$0x15100] =	vst v63  }
0x19a: {  	_ =	swait.ge [sflag:s4], $0x8000  }
0x19b: {  	[sflag:s4] =	ssyncset.done $0x0  }
0x19c: {  	[sflag:s4] =	ssyncadd.s32 $0xFFFF8000  }
0x19d: {  	[tilespmem:s13], [sflag:$0x1] =	stream.indirect.gather [hbm4b:s3+s15], $0x40, s24, s15, $0xb8;
	[tilespmem:$0x15100] =	vst v63  }
0x19e: {  	_ =	swait.ge [sflag:s7], $0x8000  }
0x19f: {  	[sflag:s7] =	ssyncset.done $0x0  }
0x1a0: {  	s30 =	rddreg [dreg:$0xd];
	[sflag:s7] =	ssyncadd.s32 $0xFFFF8000  }
0x1a1: {  	[hbm4b:s30+s2] =	stream.linear.scatter [tilespmem:s11], [sflag:$0x3], $0x8000, $0x38;
	[tilespmem:$0x15100] =	vst v63  }
0x1a2: {  	_ =	swait.ge [sflag:s4], $0x8000  }
0x1a3: {  	[sflag:s4] =	ssyncset.done $0x0  }
0x1a4: {  	[sflag:s4] =	ssyncadd.s32 $0xFFFF8000  }
0x1a5: {  	[tilespmem:s11], [sflag:$0x2] =	stream.indirect.gather [hbm4b:s3+s15], $0x40, s23, s15, $0xb8;
	[tilespmem:$0x15100] =	vst v63  }
0x1a6: {  	_ =	swait.ge [sflag:s8], $0x8000  }
0x1a7: {  	[sflag:s8] =	ssyncset.done $0x0  }
0x1a8: {  	s31 =	rddreg [dreg:$0xe];
	[sflag:s8] =	ssyncadd.s32 $0xFFFF8000  }
0x1a9: {  	[hbm4b:s31+s2] =	stream.linear.scatter [tilespmem:s13], [sflag:$0x3], $0x8000, $0x38;
	[tilespmem:$0x15100] =	vst v63  }
0x1aa: {  	_ =	swait.ge [sflag:s4], $0x8000  }
0x1ab: {  	[sflag:s4] =	ssyncset.done $0x0  }
0x1ac: {  	[sflag:s4] =	ssyncadd.s32 $0xFFFF8000  }
0x1ad: {  	[tilespmem:s13], [sflag:$0x1] =	stream.indirect.gather [hbm4b:s3+s15], $0x40, s22, s15, $0xb8;
	[tilespmem:$0x15100] =	vst v63  }
0x1ae: {  	_ =	swait.ge [sflag:s7], $0x8000  }
0x1af: {  	[sflag:s7] =	ssyncset.done $0x0  }
0x1b0: {  	s1 =	rddreg [dreg:$0xf];
	[sflag:s7] =	ssyncadd.s32 $0xFFFF8000  }
0x1b1: {  	[hbm4b:s1+s2] =	stream.linear.scatter [tilespmem:s11], [sflag:$0x3], $0x8000, $0x38;
	[tilespmem:$0x15100] =	vst v63  }
0x1b2: {  	_ =	swait.ge [sflag:s4], $0x8000  }
0x1b3: {  	[sflag:s4] =	ssyncset.done $0x0  }
0x1b4: {  	[sflag:s4] =	ssyncadd.s32 $0xFFFF8000  }
0x1b5: {  	[tilespmem:s11], [sflag:$0x2] =	stream.indirect.gather [hbm4b:s3+s15], $0x40, s21, s15, $0xb8;
	[tilespmem:$0x15100] =	vst v63  }
0x1b6: {  	_ =	swait.ge [sflag:s8], $0x8000  }
0x1b7: {  	[sflag:s8] =	ssyncset.done $0x0  }
0x1b8: {  	s21 =	rddreg [dreg:$0x10];
	[sflag:s8] =	ssyncadd.s32 $0xFFFF8000  }
0x1b9: {  	[hbm4b:s21+s2] =	stream.linear.scatter [tilespmem:s13], [sflag:$0x3], $0x8000, $0x38;
	[tilespmem:$0x15100] =	vst v63  }
0x1ba: {  	_ =	swait.ge [sflag:s4], $0x8000  }
0x1bb: {  	[sflag:s4] =	ssyncset.done $0x0  }
0x1bc: {  	[sflag:s4] =	ssyncadd.s32 $0xFFFF8000  }
0x1bd: {  	[tilespmem:s13], [sflag:$0x1] =	stream.indirect.gather [hbm4b:s3+s15], $0x40, s20, s15, $0xb8;
	[tilespmem:$0x15100] =	vst v63  }
0x1be: {  	_ =	swait.ge [sflag:s7], $0x8000  }
0x1bf: {  	[sflag:s7] =	ssyncset.done $0x0  }
0x1c0: {  	s22 =	rddreg [dreg:$0x11];
	[sflag:s7] =	ssyncadd.s32 $0xFFFF8000  }
0x1c1: {  	[hbm4b:s22+s2] =	stream.linear.scatter [tilespmem:s11], [sflag:$0x3], $0x8000, $0x38;
	[tilespmem:$0x15100] =	vst v63  }
0x1c2: {  	_ =	swait.ge [sflag:s4], $0x8000  }
0x1c3: {  	[sflag:s4] =	ssyncset.done $0x0  }
0x1c4: {  	[sflag:s4] =	ssyncadd.s32 $0xFFFF8000  }
0x1c5: {  	[tilespmem:s11], [sflag:$0x2] =	stream.indirect.gather [hbm4b:s3+s15], $0x40, s19, s15, $0xb8;
	[tilespmem:$0x15100] =	vst v63  }
0x1c6: {  	_ =	swait.ge [sflag:s8], $0x8000  }
0x1c7: {  	[sflag:s8] =	ssyncset.done $0x0  }
0x1c8: {  	s23 =	rddreg [dreg:$0x12];
	[sflag:s8] =	ssyncadd.s32 $0xFFFF8000  }
0x1c9: {  	[hbm4b:s23+s2] =	stream.linear.scatter [tilespmem:s13], [sflag:$0x3], $0x8000, $0x38;
	[tilespmem:$0x15100] =	vst v63  }
0x1ca: {  	_ =	swait.ge [sflag:s4], $0x8000  }
0x1cb: {  	[sflag:s4] =	ssyncset.done $0x0  }
0x1cc: {  	[sflag:s4] =	ssyncadd.s32 $0xFFFF8000  }
0x1cd: {  	[tilespmem:s13], [sflag:$0x1] =	stream.indirect.gather [hbm4b:s3+s15], $0x40, s18, s15, $0xb8;
	[tilespmem:$0x15100] =	vst v63  }
0x1ce: {  	_ =	swait.ge [sflag:s7], $0x8000  }
0x1cf: {  	[sflag:s7] =	ssyncset.done $0x0  }
0x1d0: {  	s24 =	rddreg [dreg:$0x13];
	[sflag:s7] =	ssyncadd.s32 $0xFFFF8000  }
0x1d1: {  	[hbm4b:s24+s2] =	stream.linear.scatter [tilespmem:s11], [sflag:$0x3], $0x8000, $0x38;
	[tilespmem:$0x15100] =	vst v63  }
0x1d2: {  	_ =	swait.ge [sflag:s4], $0x8000  }
0x1d3: {  	[sflag:s4] =	ssyncset.done $0x0  }
0x1d4: {  	[sflag:s4] =	ssyncadd.s32 $0xFFFF8000  }
0x1d5: {  	[tilespmem:s11], [sflag:$0x2] =	stream.indirect.gather [hbm4b:s3+s15], $0x40, s17, s15, $0xb8;
	[tilespmem:$0x15100] =	vst v63  }
0x1d6: {  	_ =	swait.ge [sflag:s8], $0x8000  }
0x1d7: {  	[sflag:s8] =	ssyncset.done $0x0  }
0x1d8: {  	s25 =	rddreg [dreg:$0x14];
	[sflag:s8] =	ssyncadd.s32 $0xFFFF8000  }
0x1d9: {  	[hbm4b:s25+s2] =	stream.linear.scatter [tilespmem:s13], [sflag:$0x3], $0x8000, $0x38;
	[tilespmem:$0x15100] =	vst v63  }
0x1da: {  	_ =	swait.ge [sflag:s4], $0x8000  }
0x1db: {  	[sflag:s4] =	ssyncset.done $0x0  }
0x1dc: {  	[sflag:s4] =	ssyncadd.s32 $0xFFFF8000  }
0x1dd: {  	_ =	swait.ge [sflag:s7], $0x8000  }
0x1de: {  	[sflag:s7] =	ssyncset.done $0x0  }
0x1df: {  	s26 =	rddreg [dreg:$0x15];
	[sflag:s7] =	ssyncadd.s32 $0xFFFF8000  }
0x1e0: {  	[hbm4b:s26+s2] =	stream.linear.scatter [tilespmem:s11], [sflag:$0x3], $0x8000, $0x38;
	[tilespmem:$0x15100] =	vst v63  }
0x1e1: {  	_ =	swait.ge [sflag:s4], $0x8000  }
0x1e2: {  	[sflag:s4] =	ssyncset.done $0x0  }
0x1e3: {  	s28 =	rddreg [dreg:$0x16];
	[sflag:s4] =	ssyncadd.s32 $0xFFFF8000  }
0x1e4: {  	[tilespmem:s16], [sflag:$0x3] =	stream.linear.gather [hbm4b:s28+s2], $0x80, $0x38;
	[tilespmem:$0x15100] =	vst v63  }
0x1e5: {  	_ =	swait.ge [sflag:s4], $0x80  }
0x1e6: {  	[sflag:s4] =	ssyncset.done $0x0  }
0x1e7: {  	[sflag:s4] =	ssyncadd.s32 $0xFFFFFF80  }
0x1e8: {  	[tilespmem:s14], [sflag:$0x1] =	stream.indirect.gather [hbm4b:s3+s10], $0x40, s16, s10, $0xb8;
	[tilespmem:$0x15100] =	vst v63  }
0x1e9: {  	_ =	swait.ge [sflag:s8], $0x2000  }
0x1ea: {  	[sflag:s8] =	ssyncset.done $0x0  }
0x1eb: {  	s29 =	rddreg [dreg:$0x17];
	[sflag:s8] =	ssyncadd.s32 $0xFFFFE000  }
0x1ec: {  	[hbm4b:s29+s2] =	stream.linear.scatter [tilespmem:s14], [sflag:$0x3], $0x2000, $0x38;
	[tilespmem:$0x15100] =	vst v63  }
0x1ed: {  	_ =	swait.ge [sflag:s4], $0x2000  }
0x1ee: {  	[sflag:s4] =	ssyncset.done $0x0  }
0x1ef: {  	[sflag:s4] =	ssyncadd.s32 $0xFFFFE000  }
0x1f0: {  	[tilespmem:s12], [sflag:$0x3] =	stream.linear.gather [hbm4b:s6+s2], $0x80, $0x38;
	[tilespmem:$0x15100] =	vst v63  }
0x1f1: {  	_ =	swait.ge [sflag:s4], $0x80  }
0x1f2: {  	[sflag:s4] =	ssyncset.done $0x0  }
0x1f3: {  	s30 =	rddreg [dreg:$0x4];
	[sflag:s4] =	ssyncadd.s32 $0xFFFFFF80  }
0x1f4: {  	[tilespmem:s9], [sflag:$0x2] =	stream.indirect.gather [hbm4b:s30+s10], $0x20, s12, s10, $0xb8;
	[tilespmem:$0x15100] =	vst v63  }
0x1f5: {  	_ =	swait.ge [sflag:s7], $0x1000  }
0x1f6: {  	[sflag:s7] =	ssyncset.done $0x0  }
0x1f7: {  	[sflag:s7] =	ssyncadd.s32 $0xFFFFF000  }
0x1f8: {  	[hbm4b:s5+s2] =	stream.linear.scatter [tilespmem:s9], [sflag:$0x3], $0x1000, $0x38;
	[tilespmem:$0x15100] =	vst v63  }
0x1f9: {  	_ =	swait.ge [sflag:s4], $0x1000  }
0x1fa: {  	[sflag:s4] =	ssyncset.done $0x0  }
0x1fb: {  	[sflag:s4] =	ssyncadd.s32 $0xFFFFF000  }
0x1fc: {  	_ =	sfence.sel $0x180000  }
0x1fd: {  	[bflag:$0x0] =	sbarrier.arrive $0xFFFF  }
0x1fe: {  	_ =	strace $0x90000047  }
0x1ff: {  	s31 =	stileid.u32;
	[bflag:$0x2] =	sbarrier.arrive $0xFFFF  }
0x200: {  	p0 =	sne.s32 s31, $0x0;
	s0 =	rddreg [dreg:$0x3]  }
0x201: {  	s0 =	sadd.s32 @!p0 $0x100000, s0  }
0x202: {  	[sflag:s0] =	ssyncadd.tile.s32 @!p0 $0x1;
	_ =	shalt  }
.Lfunc_end2:
_tile_overlayer_lowered:
.L_overlay_start_2:
0x203: {  	(tag) =	ssettag $0x2  }
0x204: {  	s0 =	rddreg [dreg:$0x0];
	s2 =	stileid.u32  }
0x205: {  	s1 =	rddreg [dreg:$0x1];
	p0 =	sne.s32 s2, $0x0  }
0x206: {  	s3 =	rddreg [dreg:$0x2];
	[bflag:$0x3] =	sbarrier.arrive $0xFFFF;
	s2 =	simm.s32 @!p0 $0x1C03  }
0x207: {  	[timem:s3], [sflag:s2] =	dma.local @!p0 [hbm:s0], s1  }
0x208: {  	s0 =	simm.s32 @!p0 $0x3  }
0x209: {  	_ =	swait.ge @!p0 [sflag:s0], s1  }
0x20a: {  	s1 =	ssub.s32 @!p0 $0x0, s1;
	[sflag:s0] =	ssyncset.done @!p0 $0x0  }
0x20b: {  	[sflag:s0] =	ssyncadd.s32 @!p0 s1  }
0x20c: {  	[bflag:$0x3] =	sbarrier.arrive $0xFFFF  }
0x20d: {  	_ =	shalt  }

</sc_bundles>
